<compile_context>
chip_gen: v7x
topology: tpu7x:2x2x1
jax: 0.10.2.dev20260603
libtpu: 0.0.44.dev20260713+nightly
codegen_flags: <defaults>
</compile_context>

<pallas_src>
import functools

import jax
import jax.numpy as jnp
from jax import lax
from jax.experimental import pallas as pl
from jax.experimental.pallas import tpu as pltpu
from jax.experimental.pallas import tpu_sc as plsc

BATCH = 128
SEQ = 512
D = 64
NC = 2
NS = 16
NW = NC * NS
RPW = BATCH * SEQ // NW
CHUNK = 128
LANES = 16


def _sc_gather(idx2, table):
    mesh = plsc.VectorSubcoreMesh(core_axis_name="c", subcore_axis_name="s")

    @functools.partial(
        pl.kernel,
        out_type=jax.ShapeDtypeStruct((BATCH * SEQ, D), jnp.float32),
        mesh=mesh,
        scratch_types=[
            pltpu.VMEM((RPW,), jnp.int32),
            pltpu.VMEM((CHUNK, D), jnp.float32),
            pltpu.VMEM((CHUNK, D), jnp.float32),
            pltpu.SemaphoreType.DMA,
            pltpu.SemaphoreType.DMA,
            pltpu.SemaphoreType.DMA,
        ],
        compiler_params=pltpu.CompilerParams(needs_layout_passes=False),
    )
    def k(idx_hbm, table_hbm, out_hbm, idx_v, rows0, rows1, isem, gsem, osem):
        wid = lax.axis_index("s") * NC + lax.axis_index("c")
        base = wid * RPW
        pltpu.async_copy(idx_hbm.at[wid], idx_v, isem).wait()
        lane_iota = lax.iota(jnp.int32, LANES)

        def fire(c, buf):
            @pl.loop(0, CHUNK // LANES)
            def _(g):
                v = idx_v[pl.ds(c * CHUNK + g * LANES, LANES)]
                for l in range(LANES):
                    i = jnp.sum(jnp.where(lane_iota == l, v, 0))
                    pltpu.async_copy(table_hbm.at[i],
                                     buf.at[g * LANES + l], gsem)

        def drain_rows(buf):
            pltpu.make_async_copy(table_hbm.at[pl.ds(0, CHUNK)], buf, gsem
                                  ).wait()

        @pl.loop(0, RPW // (2 * CHUNK))
        def _(p):
            c0 = 2 * p
            fire(c0, rows0)
            fire(c0 + 1, rows1)
            drain_rows(rows0)
            pltpu.sync_copy(rows0, out_hbm.at[pl.ds(base + c0 * CHUNK, CHUNK)])
            drain_rows(rows1)
            pltpu.sync_copy(rows1,
                            out_hbm.at[pl.ds(base + (c0 + 1) * CHUNK, CHUNK)])

    return k(idx2, table)


def _tc_add_relu(g, w_pos):
    BB = 8

    def body(g_ref, p_ref, o_ref):
        o_ref[...] = jnp.maximum(g_ref[...] + p_ref[...][None], 0.0)

    return pl.pallas_call(
        body,
        grid=(BATCH // BB,),
        in_specs=[
            pl.BlockSpec((BB, SEQ, D), lambda i: (i, 0, 0)),
            pl.BlockSpec((SEQ, D), lambda i: (0, 0)),
        ],
        out_specs=pl.BlockSpec((BB, SEQ, D), lambda i: (i, 0, 0)),
        out_shape=jax.ShapeDtypeStruct((BATCH, SEQ, D), jnp.float32),
    )(g, w_pos)


def kernel(X, W_word, W_pos):
    idx2 = X.astype(jnp.int32).reshape(NW, RPW)
    g = _sc_gather(idx2, W_word).reshape(BATCH, SEQ, D)
    return _tc_add_relu(g, W_pos)

# --- scband reference (transcript-rebuilt; emitter-appended) ---
"""Pipeline reference for scband-positional-embeddings-69449621176691 (READ-ONLY COPY).

The authoritative reference and input builder live on the scoring server;
editing this copy changes nothing except your own understanding.
"""

import jax, jax.numpy as jnp
import numpy as np

VOCAB = 1000000
D_MODEL = 64
SEQ_LEN = 512
BATCH = 128

def setup_inputs(seed: int = 0) -> dict:
    key = jax.random.key(seed)
    k1, k2, k3 = jax.random.split(key, 3)
    X = jax.random.randint(k1, (BATCH, SEQ_LEN), 0, VOCAB, dtype=jnp.int64 if jax.config.jax_enable_x64 else jnp.int32)
    W_word = jax.random.normal(k2, (VOCAB, D_MODEL), dtype=jnp.float32)
    W_pos = jax.random.normal(k3, (SEQ_LEN, D_MODEL), dtype=jnp.float32)
    return {"X": X, "W_word": W_word, "W_pos": W_pos}

def reference(X, W_word, W_pos):
    # word embedding lookup: W[input_seq]; dropout treated as identity (eval)
    w_embedding = jnp.take(W_word, X, axis=0)  # [B, S, D]
    # positional embedding: positions = arange(S).unsqueeze(0)
    positions = jnp.arange(X.shape[1])[None, :]  # [1, S]
    p_embedding = jnp.take(W_pos, positions, axis=0)  # [1, S, D]
    embeddings = w_embedding + p_embedding
    return jax.nn.relu(embeddings)

if __name__ == "__main__":
    import jax
    _d = setup_inputs()
    print(jax.jit(kernel)(*tuple(_d.values())))

</pallas_src>

<mosaic_0001>
#map = affine_map<(d0, d1) -> (0, 0)>
module attributes {stable_mosaic.version = 14 : i64} {
  func.func @k(%arg0: i32, %arg1: i32, %arg2: memref<32x2048xi32, #tpu.memory_space<hbm>>, %arg3: memref<1000000x64xf32, #tpu.memory_space<hbm>>, %arg4: memref<65536x64xf32, #tpu.memory_space<hbm>>, %arg5: memref<2048xi32, #tpu.memory_space<vmem>>, %arg6: memref<128x64xf32, #tpu.memory_space<vmem>>, %arg7: memref<128x64xf32, #tpu.memory_space<vmem>>, %arg8: memref<!tpu.dma_semaphore, #tpu.memory_space<semaphore_mem>>, %arg9: memref<!tpu.dma_semaphore, #tpu.memory_space<semaphore_mem>>, %arg10: memref<!tpu.dma_semaphore, #tpu.memory_space<semaphore_mem>>) attributes {dimension_semantics = [#tpu.dimension_semantics<core_parallel>, #tpu.dimension_semantics<subcore_parallel>], iteration_bounds = array<i64: 2, 16>, scalar_prefetch = 0 : i64, scratch_operands = 6 : i64, tpu.core_type = #tpu.core_type<sc_vector_subcore>, window_params = [{transform_indices = #map}, {transform_indices = #map}, {transform_indices = #map}]} {
    %mul3A = arith.constant 2 : i32
    %mul3A_0 = arith.muli %arg1, %mul3A : i32
    %add3A = arith.addi %mul3A_0, %arg0 : i32
    %mul3A_1 = arith.constant 2048 : i32
    %mul3A_2 = arith.muli %add3A, %mul3A_1 : i32
    %dma_start3A = arith.constant 0 : i32
    %dma_start3A_3 = tpu.memref_slice %arg2[%add3A, %dma_start3A] : memref<32x2048xi32, #tpu.memory_space<hbm>> -> memref<1x2048xi32, #tpu.memory_space<hbm>>
    %dma_start3A_4 = tpu.memref_squeeze %dma_start3A_3 : memref<1x2048xi32, #tpu.memory_space<hbm>> -> memref<2048xi32, #tpu.memory_space<hbm>>
    %dma_start3A_5 = arith.constant 0 : i32
    %dma_start3A_6 = tpu.memref_slice %arg2[%add3A, %dma_start3A_5] : memref<32x2048xi32, #tpu.memory_space<hbm>> -> memref<1x2048xi32, #tpu.memory_space<hbm>>
    %dma_start3A_7 = tpu.memref_squeeze %dma_start3A_6 : memref<1x2048xi32, #tpu.memory_space<hbm>> -> memref<2048xi32, #tpu.memory_space<hbm>>
    tpu.enqueue_dma source(%dma_start3A_7 : memref<2048xi32, #tpu.memory_space<hbm>>) target(%arg5 : memref<2048xi32, #tpu.memory_space<vmem>>) target_semaphore(%arg8 : memref<!tpu.dma_semaphore, #tpu.memory_space<semaphore_mem>>)
    %dma_wait3A = arith.constant 0 : i32
    %dma_wait3A_8 = tpu.memref_slice %arg2[%add3A, %dma_wait3A] : memref<32x2048xi32, #tpu.memory_space<hbm>> -> memref<1x2048xi32, #tpu.memory_space<hbm>>
    %dma_wait3A_9 = tpu.memref_squeeze %dma_wait3A_8 : memref<1x2048xi32, #tpu.memory_space<hbm>> -> memref<2048xi32, #tpu.memory_space<hbm>>
    %dma_wait3A_10 = arith.constant 0 : i32
    %dma_wait3A_11 = tpu.memref_slice %arg2[%add3A, %dma_wait3A_10] : memref<32x2048xi32, #tpu.memory_space<hbm>> -> memref<1x2048xi32, #tpu.memory_space<hbm>>
    %dma_wait3A_12 = tpu.memref_squeeze %dma_wait3A_11 : memref<1x2048xi32, #tpu.memory_space<hbm>> -> memref<2048xi32, #tpu.memory_space<hbm>>
    tpu.wait_dma2 semaphore(%arg8 : memref<!tpu.dma_semaphore, #tpu.memory_space<semaphore_mem>>) src(%dma_wait3A_12 : memref<2048xi32, #tpu.memory_space<hbm>>) dst(%arg5 : memref<2048xi32, #tpu.memory_space<vmem>>)
    %iota3A = tpu.iota {dimensions = array<i32: 0>} : vector<16xi32>
    %scan3A = arith.constant 0 : i32
    %scan3A_13 = arith.constant 8 : i32
    %scan3A_14 = arith.addi %scan3A, %scan3A_13 : i32
    %scan3A_15 = arith.constant 1 : i32
    scf.for %scan3A_17 = %scan3A to %scan3A_14 step %scan3A_15  : i32 {
      %mul3A_18 = arith.constant 1 : i32
      %mul3A_19 = arith.muli %scan3A_17, %mul3A_18 : i32
      %add3A_20 = arith.constant 0 : i32
      %add3A_21 = arith.addi %add3A_20, %mul3A_19 : i32
      %mul3A_22 = arith.constant 2 : i32
      %mul3A_23 = arith.muli %mul3A_22, %add3A_21 : i32
      %scan3A_24 = arith.constant 0 : i32
      %scan3A_25 = arith.constant 8 : i32
      %scan3A_26 = arith.addi %scan3A_24, %scan3A_25 : i32
      %scan3A_27 = arith.constant 1 : i32
      scf.for %scan3A_56 = %scan3A_24 to %scan3A_26 step %scan3A_27  : i32 {
        %mul3A_57 = arith.constant 1 : i32
        %mul3A_58 = arith.muli %scan3A_56, %mul3A_57 : i32
        %add3A_59 = arith.constant 0 : i32
        %add3A_60 = arith.addi %add3A_59, %mul3A_58 : i32
        %mul3A_61 = arith.constant 128 : i32
        %mul3A_62 = arith.muli %mul3A_23, %mul3A_61 : i32
        %mul3A_63 = arith.constant 16 : i32
        %mul3A_64 = arith.muli %add3A_60, %mul3A_63 : i32
        %add3A_65 = arith.addi %mul3A_62, %mul3A_64 : i32
        %get3A = arith.index_cast %add3A_65 : i32 to index
        %get3A_66 = tpu.vector_load %arg5[%get3A] {strides = array<i32>} : memref<2048xi32, #tpu.memory_space<vmem>>, vector<16xi32>,
        %eq3A = arith.constant 0 : i32
        %eq3A_67 = vector.broadcast %eq3A : i32 to vector<16xi32>
        %eq3A_68 = arith.cmpi eq, %iota3A, %eq3A_67 : vector<16xi32>
        %jit3A = arith.constant 0 : i32
        %broadcast_in_dim3A = vector.broadcast %jit3A : i32 to vector<16xi32>
        %select_n3A = arith.select %eq3A_68, %get3A_66, %broadcast_in_dim3A : vector<16xi1>, vector<16xi32>
        %reduce_sum3A = arith.constant true
        %reduce_sum3A_69 = vector.broadcast %reduce_sum3A : i1 to vector<16xi1>
        %reduce_sum3A_70 = tpu.scan <sum>, %select_n3A masked %reduce_sum3A_69 : vector<16xi32>, vector<16xi1> -> vector<16xi32>
        %reduce_sum3A_71 = vector.extract %reduce_sum3A_70[15] : i32 from vector<16xi32>
        %mul3A_72 = arith.constant 16 : i32
        %mul3A_73 = arith.muli %add3A_60, %mul3A_72 : i32
        %add3A_74 = arith.constant 0 : i32
        %add3A_75 = arith.addi %mul3A_73, %add3A_74 : i32
        %dma_start3A_76 = arith.constant 0 : i32
        %dma_start3A_77 = tpu.memref_slice %arg6[%add3A_75, %dma_start3A_76] : memref<128x64xf32, #tpu.memory_space<vmem>> -> memref<1x64xf32, #tpu.memory_space<vmem>>
        %dma_start3A_78 = tpu.memref_squeeze %dma_start3A_77 : memref<1x64xf32, #tpu.memory_space<vmem>> -> memref<64xf32, #tpu.memory_space<vmem>>
        %dma_start3A_79 = arith.constant 0 : i32
        %dma_start3A_80 = tpu.memref_slice %arg3[%reduce_sum3A_71, %dma_start3A_79] : memref<1000000x64xf32, #tpu.memory_space<hbm>> -> memref<1x64xf32, #tpu.memory_space<hbm>>
        %dma_start3A_81 = tpu.memref_squeeze %dma_start3A_80 : memref<1x64xf32, #tpu.memory_space<hbm>> -> memref<64xf32, #tpu.memory_space<hbm>>
        %dma_start3A_82 = arith.constant 0 : i32
        %dma_start3A_83 = tpu.memref_slice %arg6[%add3A_75, %dma_start3A_82] : memref<128x64xf32, #tpu.memory_space<vmem>> -> memref<1x64xf32, #tpu.memory_space<vmem>>
        %dma_start3A_84 = tpu.memref_squeeze %dma_start3A_83 : memref<1x64xf32, #tpu.memory_space<vmem>> -> memref<64xf32, #tpu.memory_space<vmem>>
        %dma_start3A_85 = arith.constant 0 : i32
        %dma_start3A_86 = tpu.memref_slice %arg3[%reduce_sum3A_71, %dma_start3A_85] : memref<1000000x64xf32, #tpu.memory_space<hbm>> -> memref<1x64xf32, #tpu.memory_space<hbm>>
        %dma_start3A_87 = tpu.memref_squeeze %dma_start3A_86 : memref<1x64xf32, #tpu.memory_space<hbm>> -> memref<64xf32, #tpu.memory_space<hbm>>
        tpu.enqueue_dma source(%dma_start3A_87 : memref<64xf32, #tpu.memory_space<hbm>>) target(%dma_start3A_84 : memref<64xf32, #tpu.memory_space<vmem>>) target_semaphore(%arg9 : memref<!tpu.dma_semaphore, #tpu.memory_space<semaphore_mem>>)
        %eq3A_88 = arith.constant 1 : i32
        %eq3A_89 = vector.broadcast %eq3A_88 : i32 to vector<16xi32>
        %eq3A_90 = arith.cmpi eq, %iota3A, %eq3A_89 : vector<16xi32>
        %jit3A_91 = arith.constant 0 : i32
        %broadcast_in_dim3A_92 = vector.broadcast %jit3A_91 : i32 to vector<16xi32>
        %select_n3A_93 = arith.select %eq3A_90, %get3A_66, %broadcast_in_dim3A_92 : vector<16xi1>, vector<16xi32>
        %reduce_sum3A_94 = arith.constant true
        %reduce_sum3A_95 = vector.broadcast %reduce_sum3A_94 : i1 to vector<16xi1>
        %reduce_sum3A_96 = tpu.scan <sum>, %select_n3A_93 masked %reduce_sum3A_95 : vector<16xi32>, vector<16xi1> -> vector<16xi32>
        %reduce_sum3A_97 = vector.extract %reduce_sum3A_96[15] : i32 from vector<16xi32>
        %mul3A_98 = arith.constant 16 : i32
        %mul3A_99 = arith.muli %add3A_60, %mul3A_98 : i32
        %add3A_100 = arith.constant 1 : i32
        %add3A_101 = arith.addi %mul3A_99, %add3A_100 : i32
        %dma_start3A_102 = arith.constant 0 : i32
        %dma_start3A_103 = tpu.memref_slice %arg6[%add3A_101, %dma_start3A_102] : memref<128x64xf32, #tpu.memory_space<vmem>> -> memref<1x64xf32, #tpu.memory_space<vmem>>
        %dma_start3A_104 = tpu.memref_squeeze %dma_start3A_103 : memref<1x64xf32, #tpu.memory_space<vmem>> -> memref<64xf32, #tpu.memory_space<vmem>>
        %dma_start3A_105 = arith.constant 0 : i32
        %dma_start3A_106 = tpu.memref_slice %arg3[%reduce_sum3A_97, %dma_start3A_105] : memref<1000000x64xf32, #tpu.memory_space<hbm>> -> memref<1x64xf32, #tpu.memory_space<hbm>>
        %dma_start3A_107 = tpu.memref_squeeze %dma_start3A_106 : memref<1x64xf32, #tpu.memory_space<hbm>> -> memref<64xf32, #tpu.memory_space<hbm>>
        %dma_start3A_108 = arith.constant 0 : i32
        %dma_start3A_109 = tpu.memref_slice %arg6[%add3A_101, %dma_start3A_108] : memref<128x64xf32, #tpu.memory_space<vmem>> -> memref<1x64xf32, #tpu.memory_space<vmem>>
        %dma_start3A_110 = tpu.memref_squeeze %dma_start3A_109 : memref<1x64xf32, #tpu.memory_space<vmem>> -> memref<64xf32, #tpu.memory_space<vmem>>
        %dma_start3A_111 = arith.constant 0 : i32
        %dma_start3A_112 = tpu.memref_slice %arg3[%reduce_sum3A_97, %dma_start3A_111] : memref<1000000x64xf32, #tpu.memory_space<hbm>> -> memref<1x64xf32, #tpu.memory_space<hbm>>
        %dma_start3A_113 = tpu.memref_squeeze %dma_start3A_112 : memref<1x64xf32, #tpu.memory_space<hbm>> -> memref<64xf32, #tpu.memory_space<hbm>>
        tpu.enqueue_dma source(%dma_start3A_113 : memref<64xf32, #tpu.memory_space<hbm>>) target(%dma_start3A_110 : memref<64xf32, #tpu.memory_space<vmem>>) target_semaphore(%arg9 : memref<!tpu.dma_semaphore, #tpu.memory_space<semaphore_mem>>)
        %eq3A_114 = arith.constant 2 : i32
        %eq3A_115 = vector.broadcast %eq3A_114 : i32 to vector<16xi32>
        %eq3A_116 = arith.cmpi eq, %iota3A, %eq3A_115 : vector<16xi32>
        %jit3A_117 = arith.constant 0 : i32
        %broadcast_in_dim3A_118 = vector.broadcast %jit3A_117 : i32 to vector<16xi32>
        %select_n3A_119 = arith.select %eq3A_116, %get3A_66, %broadcast_in_dim3A_118 : vector<16xi1>, vector<16xi32>
        %reduce_sum3A_120 = arith.constant true
        %reduce_sum3A_121 = vector.broadcast %reduce_sum3A_120 : i1 to vector<16xi1>
        %reduce_sum3A_122 = tpu.scan <sum>, %select_n3A_119 masked %reduce_sum3A_121 : vector<16xi32>, vector<16xi1> -> vector<16xi32>
        %reduce_sum3A_123 = vector.extract %reduce_sum3A_122[15] : i32 from vector<16xi32>
        %mul3A_124 = arith.constant 16 : i32
        %mul3A_125 = arith.muli %add3A_60, %mul3A_124 : i32
        %add3A_126 = arith.constant 2 : i32
        %add3A_127 = arith.addi %mul3A_125, %add3A_126 : i32
        %dma_start3A_128 = arith.constant 0 : i32
        %dma_start3A_129 = tpu.memref_slice %arg6[%add3A_127, %dma_start3A_128] : memref<128x64xf32, #tpu.memory_space<vmem>> -> memref<1x64xf32, #tpu.memory_space<vmem>>
        %dma_start3A_130 = tpu.memref_squeeze %dma_start3A_129 : memref<1x64xf32, #tpu.memory_space<vmem>> -> memref<64xf32, #tpu.memory_space<vmem>>
        %dma_start3A_131 = arith.constant 0 : i32
        %dma_start3A_132 = tpu.memref_slice %arg3[%reduce_sum3A_123, %dma_start3A_131] : memref<1000000x64xf32, #tpu.memory_space<hbm>> -> memref<1x64xf32, #tpu.memory_space<hbm>>
        %dma_start3A_133 = tpu.memref_squeeze %dma_start3A_132 : memref<1x64xf32, #tpu.memory_space<hbm>> -> memref<64xf32, #tpu.memory_space<hbm>>
        %dma_start3A_134 = arith.constant 0 : i32
        %dma_start3A_135 = tpu.memref_slice %arg6[%add3A_127, %dma_start3A_134] : memref<128x64xf32, #tpu.memory_space<vmem>> -> memref<1x64xf32, #tpu.memory_space<vmem>>
        %dma_start3A_136 = tpu.memref_squeeze %dma_start3A_135 : memref<1x64xf32, #tpu.memory_space<vmem>> -> memref<64xf32, #tpu.memory_space<vmem>>
        %dma_start3A_137 = arith.constant 0 : i32
        %dma_start3A_138 = tpu.memref_slice %arg3[%reduce_sum3A_123, %dma_start3A_137] : memref<1000000x64xf32, #tpu.memory_space<hbm>> -> memref<1x64xf32, #tpu.memory_space<hbm>>
        %dma_start3A_139 = tpu.memref_squeeze %dma_start3A_138 : memref<1x64xf32, #tpu.memory_space<hbm>> -> memref<64xf32, #tpu.memory_space<hbm>>
        tpu.enqueue_dma source(%dma_start3A_139 : memref<64xf32, #tpu.memory_space<hbm>>) target(%dma_start3A_136 : memref<64xf32, #tpu.memory_space<vmem>>) target_semaphore(%arg9 : memref<!tpu.dma_semaphore, #tpu.memory_space<semaphore_mem>>)
        %eq3A_140 = arith.constant 3 : i32
        %eq3A_141 = vector.broadcast %eq3A_140 : i32 to vector<16xi32>
        %eq3A_142 = arith.cmpi eq, %iota3A, %eq3A_141 : vector<16xi32>
        %jit3A_143 = arith.constant 0 : i32
        %broadcast_in_dim3A_144 = vector.broadcast %jit3A_143 : i32 to vector<16xi32>
        %select_n3A_145 = arith.select %eq3A_142, %get3A_66, %broadcast_in_dim3A_144 : vector<16xi1>, vector<16xi32>
        %reduce_sum3A_146 = arith.constant true
        %reduce_sum3A_147 = vector.broadcast %reduce_sum3A_146 : i1 to vector<16xi1>
        %reduce_sum3A_148 = tpu.scan <sum>, %select_n3A_145 masked %reduce_sum3A_147 : vector<16xi32>, vector<16xi1> -> vector<16xi32>
        %reduce_sum3A_149 = vector.extract %reduce_sum3A_148[15] : i32 from vector<16xi32>
        %mul3A_150 = arith.constant 16 : i32
        %mul3A_151 = arith.muli %add3A_60, %mul3A_150 : i32
        %add3A_152 = arith.constant 3 : i32
        %add3A_153 = arith.addi %mul3A_151, %add3A_152 : i32
        %dma_start3A_154 = arith.constant 0 : i32
        %dma_start3A_155 = tpu.memref_slice %arg6[%add3A_153, %dma_start3A_154] : memref<128x64xf32, #tpu.memory_space<vmem>> -> memref<1x64xf32, #tpu.memory_space<vmem>>
        %dma_start3A_156 = tpu.memref_squeeze %dma_start3A_155 : memref<1x64xf32, #tpu.memory_space<vmem>> -> memref<64xf32, #tpu.memory_space<vmem>>
        %dma_start3A_157 = arith.constant 0 : i32
        %dma_start3A_158 = tpu.memref_slice %arg3[%reduce_sum3A_149, %dma_start3A_157] : memref<1000000x64xf32, #tpu.memory_space<hbm>> -> memref<1x64xf32, #tpu.memory_space<hbm>>
        %dma_start3A_159 = tpu.memref_squeeze %dma_start3A_158 : memref<1x64xf32, #tpu.memory_space<hbm>> -> memref<64xf32, #tpu.memory_space<hbm>>
        %dma_start3A_160 = arith.constant 0 : i32
        %dma_start3A_161 = tpu.memref_slice %arg6[%add3A_153, %dma_start3A_160] : memref<128x64xf32, #tpu.memory_space<vmem>> -> memref<1x64xf32, #tpu.memory_space<vmem>>
        %dma_start3A_162 = tpu.memref_squeeze %dma_start3A_161 : memref<1x64xf32, #tpu.memory_space<vmem>> -> memref<64xf32, #tpu.memory_space<vmem>>
        %dma_start3A_163 = arith.constant 0 : i32
        %dma_start3A_164 = tpu.memref_slice %arg3[%reduce_sum3A_149, %dma_start3A_163] : memref<1000000x64xf32, #tpu.memory_space<hbm>> -> memref<1x64xf32, #tpu.memory_space<hbm>>
        %dma_start3A_165 = tpu.memref_squeeze %dma_start3A_164 : memref<1x64xf32, #tpu.memory_space<hbm>> -> memref<64xf32, #tpu.memory_space<hbm>>
        tpu.enqueue_dma source(%dma_start3A_165 : memref<64xf32, #tpu.memory_space<hbm>>) target(%dma_start3A_162 : memref<64xf32, #tpu.memory_space<vmem>>) target_semaphore(%arg9 : memref<!tpu.dma_semaphore, #tpu.memory_space<semaphore_mem>>)
        %eq3A_166 = arith.constant 4 : i32
        %eq3A_167 = vector.broadcast %eq3A_166 : i32 to vector<16xi32>
        %eq3A_168 = arith.cmpi eq, %iota3A, %eq3A_167 : vector<16xi32>
        %jit3A_169 = arith.constant 0 : i32
        %broadcast_in_dim3A_170 = vector.broadcast %jit3A_169 : i32 to vector<16xi32>
        %select_n3A_171 = arith.select %eq3A_168, %get3A_66, %broadcast_in_dim3A_170 : vector<16xi1>, vector<16xi32>
        %reduce_sum3A_172 = arith.constant true
        %reduce_sum3A_173 = vector.broadcast %reduce_sum3A_172 : i1 to vector<16xi1>
        %reduce_sum3A_174 = tpu.scan <sum>, %select_n3A_171 masked %reduce_sum3A_173 : vector<16xi32>, vector<16xi1> -> vector<16xi32>
        %reduce_sum3A_175 = vector.extract %reduce_sum3A_174[15] : i32 from vector<16xi32>
        %mul3A_176 = arith.constant 16 : i32
        %mul3A_177 = arith.muli %add3A_60, %mul3A_176 : i32
        %add3A_178 = arith.constant 4 : i32
        %add3A_179 = arith.addi %mul3A_177, %add3A_178 : i32
        %dma_start3A_180 = arith.constant 0 : i32
        %dma_start3A_181 = tpu.memref_slice %arg6[%add3A_179, %dma_start3A_180] : memref<128x64xf32, #tpu.memory_space<vmem>> -> memref<1x64xf32, #tpu.memory_space<vmem>>
        %dma_start3A_182 = tpu.memref_squeeze %dma_start3A_181 : memref<1x64xf32, #tpu.memory_space<vmem>> -> memref<64xf32, #tpu.memory_space<vmem>>
        %dma_start3A_183 = arith.constant 0 : i32
        %dma_start3A_184 = tpu.memref_slice %arg3[%reduce_sum3A_175, %dma_start3A_183] : memref<1000000x64xf32, #tpu.memory_space<hbm>> -> memref<1x64xf32, #tpu.memory_space<hbm>>
        %dma_start3A_185 = tpu.memref_squeeze %dma_start3A_184 : memref<1x64xf32, #tpu.memory_space<hbm>> -> memref<64xf32, #tpu.memory_space<hbm>>
        %dma_start3A_186 = arith.constant 0 : i32
        %dma_start3A_187 = tpu.memref_slice %arg6[%add3A_179, %dma_start3A_186] : memref<128x64xf32, #tpu.memory_space<vmem>> -> memref<1x64xf32, #tpu.memory_space<vmem>>
        %dma_start3A_188 = tpu.memref_squeeze %dma_start3A_187 : memref<1x64xf32, #tpu.memory_space<vmem>> -> memref<64xf32, #tpu.memory_space<vmem>>
        %dma_start3A_189 = arith.constant 0 : i32
        %dma_start3A_190 = tpu.memref_slice %arg3[%reduce_sum3A_175, %dma_start3A_189] : memref<1000000x64xf32, #tpu.memory_space<hbm>> -> memref<1x64xf32, #tpu.memory_space<hbm>>
        %dma_start3A_191 = tpu.memref_squeeze %dma_start3A_190 : memref<1x64xf32, #tpu.memory_space<hbm>> -> memref<64xf32, #tpu.memory_space<hbm>>
        tpu.enqueue_dma source(%dma_start3A_191 : memref<64xf32, #tpu.memory_space<hbm>>) target(%dma_start3A_188 : memref<64xf32, #tpu.memory_space<vmem>>) target_semaphore(%arg9 : memref<!tpu.dma_semaphore, #tpu.memory_space<semaphore_mem>>)
        %eq3A_192 = arith.constant 5 : i32
        %eq3A_193 = vector.broadcast %eq3A_192 : i32 to vector<16xi32>
        %eq3A_194 = arith.cmpi eq, %iota3A, %eq3A_193 : vector<16xi32>
        %jit3A_195 = arith.constant 0 : i32
        %broadcast_in_dim3A_196 = vector.broadcast %jit3A_195 : i32 to vector<16xi32>
        %select_n3A_197 = arith.select %eq3A_194, %get3A_66, %broadcast_in_dim3A_196 : vector<16xi1>, vector<16xi32>
        %reduce_sum3A_198 = arith.constant true
        %reduce_sum3A_199 = vector.broadcast %reduce_sum3A_198 : i1 to vector<16xi1>
        %reduce_sum3A_200 = tpu.scan <sum>, %select_n3A_197 masked %reduce_sum3A_199 : vector<16xi32>, vector<16xi1> -> vector<16xi32>
        %reduce_sum3A_201 = vector.extract %reduce_sum3A_200[15] : i32 from vector<16xi32>
        %mul3A_202 = arith.constant 16 : i32
        %mul3A_203 = arith.muli %add3A_60, %mul3A_202 : i32
        %add3A_204 = arith.constant 5 : i32
        %add3A_205 = arith.addi %mul3A_203, %add3A_204 : i32
        %dma_start3A_206 = arith.constant 0 : i32
        %dma_start3A_207 = tpu.memref_slice %arg6[%add3A_205, %dma_start3A_206] : memref<128x64xf32, #tpu.memory_space<vmem>> -> memref<1x64xf32, #tpu.memory_space<vmem>>
        %dma_start3A_208 = tpu.memref_squeeze %dma_start3A_207 : memref<1x64xf32, #tpu.memory_space<vmem>> -> memref<64xf32, #tpu.memory_space<vmem>>
        %dma_start3A_209 = arith.constant 0 : i32
        %dma_start3A_210 = tpu.memref_slice %arg3[%reduce_sum3A_201, %dma_start3A_209] : memref<1000000x64xf32, #tpu.memory_space<hbm>> -> memref<1x64xf32, #tpu.memory_space<hbm>>
        %dma_start3A_211 = tpu.memref_squeeze %dma_start3A_210 : memref<1x64xf32, #tpu.memory_space<hbm>> -> memref<64xf32, #tpu.memory_space<hbm>>
        %dma_start3A_212 = arith.constant 0 : i32
        %dma_start3A_213 = tpu.memref_slice %arg6[%add3A_205, %dma_start3A_212] : memref<128x64xf32, #tpu.memory_space<vmem>> -> memref<1x64xf32, #tpu.memory_space<vmem>>
        %dma_start3A_214 = tpu.memref_squeeze %dma_start3A_213 : memref<1x64xf32, #tpu.memory_space<vmem>> -> memref<64xf32, #tpu.memory_space<vmem>>
        %dma_start3A_215 = arith.constant 0 : i32
        %dma_start3A_216 = tpu.memref_slice %arg3[%reduce_sum3A_201, %dma_start3A_215] : memref<1000000x64xf32, #tpu.memory_space<hbm>> -> memref<1x64xf32, #tpu.memory_space<hbm>>
        %dma_start3A_217 = tpu.memref_squeeze %dma_start3A_216 : memref<1x64xf32, #tpu.memory_space<hbm>> -> memref<64xf32, #tpu.memory_space<hbm>>
        tpu.enqueue_dma source(%dma_start3A_217 : memref<64xf32, #tpu.memory_space<hbm>>) target(%dma_start3A_214 : memref<64xf32, #tpu.memory_space<vmem>>) target_semaphore(%arg9 : memref<!tpu.dma_semaphore, #tpu.memory_space<semaphore_mem>>)
        %eq3A_218 = arith.constant 6 : i32
        %eq3A_219 = vector.broadcast %eq3A_218 : i32 to vector<16xi32>
        %eq3A_220 = arith.cmpi eq, %iota3A, %eq3A_219 : vector<16xi32>
        %jit3A_221 = arith.constant 0 : i32
        %broadcast_in_dim3A_222 = vector.broadcast %jit3A_221 : i32 to vector<16xi32>
        %select_n3A_223 = arith.select %eq3A_220, %get3A_66, %broadcast_in_dim3A_222 : vector<16xi1>, vector<16xi32>
        %reduce_sum3A_224 = arith.constant true
        %reduce_sum3A_225 = vector.broadcast %reduce_sum3A_224 : i1 to vector<16xi1>
        %reduce_sum3A_226 = tpu.scan <sum>, %select_n3A_223 masked %reduce_sum3A_225 : vector<16xi32>, vector<16xi1> -> vector<16xi32>
        %reduce_sum3A_227 = vector.extract %reduce_sum3A_226[15] : i32 from vector<16xi32>
        %mul3A_228 = arith.constant 16 : i32
        %mul3A_229 = arith.muli %add3A_60, %mul3A_228 : i32
        %add3A_230 = arith.constant 6 : i32
        %add3A_231 = arith.addi %mul3A_229, %add3A_230 : i32
        %dma_start3A_232 = arith.constant 0 : i32
        %dma_start3A_233 = tpu.memref_slice %arg6[%add3A_231, %dma_start3A_232] : memref<128x64xf32, #tpu.memory_space<vmem>> -> memref<1x64xf32, #tpu.memory_space<vmem>>
        %dma_start3A_234 = tpu.memref_squeeze %dma_start3A_233 : memref<1x64xf32, #tpu.memory_space<vmem>> -> memref<64xf32, #tpu.memory_space<vmem>>
        %dma_start3A_235 = arith.constant 0 : i32
        %dma_start3A_236 = tpu.memref_slice %arg3[%reduce_sum3A_227, %dma_start3A_235] : memref<1000000x64xf32, #tpu.memory_space<hbm>> -> memref<1x64xf32, #tpu.memory_space<hbm>>
        %dma_start3A_237 = tpu.memref_squeeze %dma_start3A_236 : memref<1x64xf32, #tpu.memory_space<hbm>> -> memref<64xf32, #tpu.memory_space<hbm>>
        %dma_start3A_238 = arith.constant 0 : i32
        %dma_start3A_239 = tpu.memref_slice %arg6[%add3A_231, %dma_start3A_238] : memref<128x64xf32, #tpu.memory_space<vmem>> -> memref<1x64xf32, #tpu.memory_space<vmem>>
        %dma_start3A_240 = tpu.memref_squeeze %dma_start3A_239 : memref<1x64xf32, #tpu.memory_space<vmem>> -> memref<64xf32, #tpu.memory_space<vmem>>
        %dma_start3A_241 = arith.constant 0 : i32
        %dma_start3A_242 = tpu.memref_slice %arg3[%reduce_sum3A_227, %dma_start3A_241] : memref<1000000x64xf32, #tpu.memory_space<hbm>> -> memref<1x64xf32, #tpu.memory_space<hbm>>
        %dma_start3A_243 = tpu.memref_squeeze %dma_start3A_242 : memref<1x64xf32, #tpu.memory_space<hbm>> -> memref<64xf32, #tpu.memory_space<hbm>>
        tpu.enqueue_dma source(%dma_start3A_243 : memref<64xf32, #tpu.memory_space<hbm>>) target(%dma_start3A_240 : memref<64xf32, #tpu.memory_space<vmem>>) target_semaphore(%arg9 : memref<!tpu.dma_semaphore, #tpu.memory_space<semaphore_mem>>)
        %eq3A_244 = arith.constant 7 : i32
        %eq3A_245 = vector.broadcast %eq3A_244 : i32 to vector<16xi32>
        %eq3A_246 = arith.cmpi eq, %iota3A, %eq3A_245 : vector<16xi32>
        %jit3A_247 = arith.constant 0 : i32
        %broadcast_in_dim3A_248 = vector.broadcast %jit3A_247 : i32 to vector<16xi32>
        %select_n3A_249 = arith.select %eq3A_246, %get3A_66, %broadcast_in_dim3A_248 : vector<16xi1>, vector<16xi32>
        %reduce_sum3A_250 = arith.constant true
        %reduce_sum3A_251 = vector.broadcast %reduce_sum3A_250 : i1 to vector<16xi1>
        %reduce_sum3A_252 = tpu.scan <sum>, %select_n3A_249 masked %reduce_sum3A_251 : vector<16xi32>, vector<16xi1> -> vector<16xi32>
        %reduce_sum3A_253 = vector.extract %reduce_sum3A_252[15] : i32 from vector<16xi32>
        %mul3A_254 = arith.constant 16 : i32
        %mul3A_255 = arith.muli %add3A_60, %mul3A_254 : i32
        %add3A_256 = arith.constant 7 : i32
        %add3A_257 = arith.addi %mul3A_255, %add3A_256 : i32
        %dma_start3A_258 = arith.constant 0 : i32
        %dma_start3A_259 = tpu.memref_slice %arg6[%add3A_257, %dma_start3A_258] : memref<128x64xf32, #tpu.memory_space<vmem>> -> memref<1x64xf32, #tpu.memory_space<vmem>>
        %dma_start3A_260 = tpu.memref_squeeze %dma_start3A_259 : memref<1x64xf32, #tpu.memory_space<vmem>> -> memref<64xf32, #tpu.memory_space<vmem>>
        %dma_start3A_261 = arith.constant 0 : i32
        %dma_start3A_262 = tpu.memref_slice %arg3[%reduce_sum3A_253, %dma_start3A_261] : memref<1000000x64xf32, #tpu.memory_space<hbm>> -> memref<1x64xf32, #tpu.memory_space<hbm>>
        %dma_start3A_263 = tpu.memref_squeeze %dma_start3A_262 : memref<1x64xf32, #tpu.memory_space<hbm>> -> memref<64xf32, #tpu.memory_space<hbm>>
        %dma_start3A_264 = arith.constant 0 : i32
        %dma_start3A_265 = tpu.memref_slice %arg6[%add3A_257, %dma_start3A_264] : memref<128x64xf32, #tpu.memory_space<vmem>> -> memref<1x64xf32, #tpu.memory_space<vmem>>
        %dma_start3A_266 = tpu.memref_squeeze %dma_start3A_265 : memref<1x64xf32, #tpu.memory_space<vmem>> -> memref<64xf32, #tpu.memory_space<vmem>>
        %dma_start3A_267 = arith.constant 0 : i32
        %dma_start3A_268 = tpu.memref_slice %arg3[%reduce_sum3A_253, %dma_start3A_267] : memref<1000000x64xf32, #tpu.memory_space<hbm>> -> memref<1x64xf32, #tpu.memory_space<hbm>>
        %dma_start3A_269 = tpu.memref_squeeze %dma_start3A_268 : memref<1x64xf32, #tpu.memory_space<hbm>> -> memref<64xf32, #tpu.memory_space<hbm>>
        tpu.enqueue_dma source(%dma_start3A_269 : memref<64xf32, #tpu.memory_space<hbm>>) target(%dma_start3A_266 : memref<64xf32, #tpu.memory_space<vmem>>) target_semaphore(%arg9 : memref<!tpu.dma_semaphore, #tpu.memory_space<semaphore_mem>>)
        %eq3A_270 = arith.constant 8 : i32
        %eq3A_271 = vector.broadcast %eq3A_270 : i32 to vector<16xi32>
        %eq3A_272 = arith.cmpi eq, %iota3A, %eq3A_271 : vector<16xi32>
        %jit3A_273 = arith.constant 0 : i32
        %broadcast_in_dim3A_274 = vector.broadcast %jit3A_273 : i32 to vector<16xi32>
        %select_n3A_275 = arith.select %eq3A_272, %get3A_66, %broadcast_in_dim3A_274 : vector<16xi1>, vector<16xi32>
        %reduce_sum3A_276 = arith.constant true
        %reduce_sum3A_277 = vector.broadcast %reduce_sum3A_276 : i1 to vector<16xi1>
        %reduce_sum3A_278 = tpu.scan <sum>, %select_n3A_275 masked %reduce_sum3A_277 : vector<16xi32>, vector<16xi1> -> vector<16xi32>
        %reduce_sum3A_279 = vector.extract %reduce_sum3A_278[15] : i32 from vector<16xi32>
        %mul3A_280 = arith.constant 16 : i32
        %mul3A_281 = arith.muli %add3A_60, %mul3A_280 : i32
        %add3A_282 = arith.constant 8 : i32
        %add3A_283 = arith.addi %mul3A_281, %add3A_282 : i32
        %dma_start3A_284 = arith.constant 0 : i32
        %dma_start3A_285 = tpu.memref_slice %arg6[%add3A_283, %dma_start3A_284] : memref<128x64xf32, #tpu.memory_space<vmem>> -> memref<1x64xf32, #tpu.memory_space<vmem>>
        %dma_start3A_286 = tpu.memref_squeeze %dma_start3A_285 : memref<1x64xf32, #tpu.memory_space<vmem>> -> memref<64xf32, #tpu.memory_space<vmem>>
        %dma_start3A_287 = arith.constant 0 : i32
        %dma_start3A_288 = tpu.memref_slice %arg3[%reduce_sum3A_279, %dma_start3A_287] : memref<1000000x64xf32, #tpu.memory_space<hbm>> -> memref<1x64xf32, #tpu.memory_space<hbm>>
        %dma_start3A_289 = tpu.memref_squeeze %dma_start3A_288 : memref<1x64xf32, #tpu.memory_space<hbm>> -> memref<64xf32, #tpu.memory_space<hbm>>
        %dma_start3A_290 = arith.constant 0 : i32
        %dma_start3A_291 = tpu.memref_slice %arg6[%add3A_283, %dma_start3A_290] : memref<128x64xf32, #tpu.memory_space<vmem>> -> memref<1x64xf32, #tpu.memory_space<vmem>>
        %dma_start3A_292 = tpu.memref_squeeze %dma_start3A_291 : memref<1x64xf32, #tpu.memory_space<vmem>> -> memref<64xf32, #tpu.memory_space<vmem>>
        %dma_start3A_293 = arith.constant 0 : i32
        %dma_start3A_294 = tpu.memref_slice %arg3[%reduce_sum3A_279, %dma_start3A_293] : memref<1000000x64xf32, #tpu.memory_space<hbm>> -> memref<1x64xf32, #tpu.memory_space<hbm>>
        %dma_start3A_295 = tpu.memref_squeeze %dma_start3A_294 : memref<1x64xf32, #tpu.memory_space<hbm>> -> memref<64xf32, #tpu.memory_space<hbm>>
        tpu.enqueue_dma source(%dma_start3A_295 : memref<64xf32, #tpu.memory_space<hbm>>) target(%dma_start3A_292 : memref<64xf32, #tpu.memory_space<vmem>>) target_semaphore(%arg9 : memref<!tpu.dma_semaphore, #tpu.memory_space<semaphore_mem>>)
        %eq3A_296 = arith.constant 9 : i32
        %eq3A_297 = vector.broadcast %eq3A_296 : i32 to vector<16xi32>
        %eq3A_298 = arith.cmpi eq, %iota3A, %eq3A_297 : vector<16xi32>
        %jit3A_299 = arith.constant 0 : i32
        %broadcast_in_dim3A_300 = vector.broadcast %jit3A_299 : i32 to vector<16xi32>
        %select_n3A_301 = arith.select %eq3A_298, %get3A_66, %broadcast_in_dim3A_300 : vector<16xi1>, vector<16xi32>
        %reduce_sum3A_302 = arith.constant true
        %reduce_sum3A_303 = vector.broadcast %reduce_sum3A_302 : i1 to vector<16xi1>
        %reduce_sum3A_304 = tpu.scan <sum>, %select_n3A_301 masked %reduce_sum3A_303 : vector<16xi32>, vector<16xi1> -> vector<16xi32>
        %reduce_sum3A_305 = vector.extract %reduce_sum3A_304[15] : i32 from vector<16xi32>
        %mul3A_306 = arith.constant 16 : i32
        %mul3A_307 = arith.muli %add3A_60, %mul3A_306 : i32
        %add3A_308 = arith.constant 9 : i32
        %add3A_309 = arith.addi %mul3A_307, %add3A_308 : i32
        %dma_start3A_310 = arith.constant 0 : i32
        %dma_start3A_311 = tpu.memref_slice %arg6[%add3A_309, %dma_start3A_310] : memref<128x64xf32, #tpu.memory_space<vmem>> -> memref<1x64xf32, #tpu.memory_space<vmem>>
        %dma_start3A_312 = tpu.memref_squeeze %dma_start3A_311 : memref<1x64xf32, #tpu.memory_space<vmem>> -> memref<64xf32, #tpu.memory_space<vmem>>
        %dma_start3A_313 = arith.constant 0 : i32
        %dma_start3A_314 = tpu.memref_slice %arg3[%reduce_sum3A_305, %dma_start3A_313] : memref<1000000x64xf32, #tpu.memory_space<hbm>> -> memref<1x64xf32, #tpu.memory_space<hbm>>
        %dma_start3A_315 = tpu.memref_squeeze %dma_start3A_314 : memref<1x64xf32, #tpu.memory_space<hbm>> -> memref<64xf32, #tpu.memory_space<hbm>>
        %dma_start3A_316 = arith.constant 0 : i32
        %dma_start3A_317 = tpu.memref_slice %arg6[%add3A_309, %dma_start3A_316] : memref<128x64xf32, #tpu.memory_space<vmem>> -> memref<1x64xf32, #tpu.memory_space<vmem>>
        %dma_start3A_318 = tpu.memref_squeeze %dma_start3A_317 : memref<1x64xf32, #tpu.memory_space<vmem>> -> memref<64xf32, #tpu.memory_space<vmem>>
        %dma_start3A_319 = arith.constant 0 : i32
        %dma_start3A_320 = tpu.memref_slice %arg3[%reduce_sum3A_305, %dma_start3A_319] : memref<1000000x64xf32, #tpu.memory_space<hbm>> -> memref<1x64xf32, #tpu.memory_space<hbm>>
        %dma_start3A_321 = tpu.memref_squeeze %dma_start3A_320 : memref<1x64xf32, #tpu.memory_space<hbm>> -> memref<64xf32, #tpu.memory_space<hbm>>
        tpu.enqueue_dma source(%dma_start3A_321 : memref<64xf32, #tpu.memory_space<hbm>>) target(%dma_start3A_318 : memref<64xf32, #tpu.memory_space<vmem>>) target_semaphore(%arg9 : memref<!tpu.dma_semaphore, #tpu.memory_space<semaphore_mem>>)
        %eq3A_322 = arith.constant 10 : i32
        %eq3A_323 = vector.broadcast %eq3A_322 : i32 to vector<16xi32>
        %eq3A_324 = arith.cmpi eq, %iota3A, %eq3A_323 : vector<16xi32>
        %jit3A_325 = arith.constant 0 : i32
        %broadcast_in_dim3A_326 = vector.broadcast %jit3A_325 : i32 to vector<16xi32>
        %select_n3A_327 = arith.select %eq3A_324, %get3A_66, %broadcast_in_dim3A_326 : vector<16xi1>, vector<16xi32>
        %reduce_sum3A_328 = arith.constant true
        %reduce_sum3A_329 = vector.broadcast %reduce_sum3A_328 : i1 to vector<16xi1>
        %reduce_sum3A_330 = tpu.scan <sum>, %select_n3A_327 masked %reduce_sum3A_329 : vector<16xi32>, vector<16xi1> -> vector<16xi32>
        %reduce_sum3A_331 = vector.extract %reduce_sum3A_330[15] : i32 from vector<16xi32>
        %mul3A_332 = arith.constant 16 : i32
        %mul3A_333 = arith.muli %add3A_60, %mul3A_332 : i32
        %add3A_334 = arith.constant 10 : i32
        %add3A_335 = arith.addi %mul3A_333, %add3A_334 : i32
        %dma_start3A_336 = arith.constant 0 : i32
        %dma_start3A_337 = tpu.memref_slice %arg6[%add3A_335, %dma_start3A_336] : memref<128x64xf32, #tpu.memory_space<vmem>> -> memref<1x64xf32, #tpu.memory_space<vmem>>
        %dma_start3A_338 = tpu.memref_squeeze %dma_start3A_337 : memref<1x64xf32, #tpu.memory_space<vmem>> -> memref<64xf32, #tpu.memory_space<vmem>>
        %dma_start3A_339 = arith.constant 0 : i32
        %dma_start3A_340 = tpu.memref_slice %arg3[%reduce_sum3A_331, %dma_start3A_339] : memref<1000000x64xf32, #tpu.memory_space<hbm>> -> memref<1x64xf32, #tpu.memory_space<hbm>>
        %dma_start3A_341 = tpu.memref_squeeze %dma_start3A_340 : memref<1x64xf32, #tpu.memory_space<hbm>> -> memref<64xf32, #tpu.memory_space<hbm>>
        %dma_start3A_342 = arith.constant 0 : i32
        %dma_start3A_343 = tpu.memref_slice %arg6[%add3A_335, %dma_start3A_342] : memref<128x64xf32, #tpu.memory_space<vmem>> -> memref<1x64xf32, #tpu.memory_space<vmem>>
        %dma_start3A_344 = tpu.memref_squeeze %dma_start3A_343 : memref<1x64xf32, #tpu.memory_space<vmem>> -> memref<64xf32, #tpu.memory_space<vmem>>
        %dma_start3A_345 = arith.constant 0 : i32
        %dma_start3A_346 = tpu.memref_slice %arg3[%reduce_sum3A_331, %dma_start3A_345] : memref<1000000x64xf32, #tpu.memory_space<hbm>> -> memref<1x64xf32, #tpu.memory_space<hbm>>
        %dma_start3A_347 = tpu.memref_squeeze %dma_start3A_346 : memref<1x64xf32, #tpu.memory_space<hbm>> -> memref<64xf32, #tpu.memory_space<hbm>>
        tpu.enqueue_dma source(%dma_start3A_347 : memref<64xf32, #tpu.memory_space<hbm>>) target(%dma_start3A_344 : memref<64xf32, #tpu.memory_space<vmem>>) target_semaphore(%arg9 : memref<!tpu.dma_semaphore, #tpu.memory_space<semaphore_mem>>)
        %eq3A_348 = arith.constant 11 : i32
        %eq3A_349 = vector.broadcast %eq3A_348 : i32 to vector<16xi32>
        %eq3A_350 = arith.cmpi eq, %iota3A, %eq3A_349 : vector<16xi32>
        %jit3A_351 = arith.constant 0 : i32
        %broadcast_in_dim3A_352 = vector.broadcast %jit3A_351 : i32 to vector<16xi32>
        %select_n3A_353 = arith.select %eq3A_350, %get3A_66, %broadcast_in_dim3A_352 : vector<16xi1>, vector<16xi32>
        %reduce_sum3A_354 = arith.constant true
        %reduce_sum3A_355 = vector.broadcast %reduce_sum3A_354 : i1 to vector<16xi1>
        %reduce_sum3A_356 = tpu.scan <sum>, %select_n3A_353 masked %reduce_sum3A_355 : vector<16xi32>, vector<16xi1> -> vector<16xi32>
        %reduce_sum3A_357 = vector.extract %reduce_sum3A_356[15] : i32 from vector<16xi32>
        %mul3A_358 = arith.constant 16 : i32
        %mul3A_359 = arith.muli %add3A_60, %mul3A_358 : i32
        %add3A_360 = arith.constant 11 : i32
        %add3A_361 = arith.addi %mul3A_359, %add3A_360 : i32
        %dma_start3A_362 = arith.constant 0 : i32
        %dma_start3A_363 = tpu.memref_slice %arg6[%add3A_361, %dma_start3A_362] : memref<128x64xf32, #tpu.memory_space<vmem>> -> memref<1x64xf32, #tpu.memory_space<vmem>>
        %dma_start3A_364 = tpu.memref_squeeze %dma_start3A_363 : memref<1x64xf32, #tpu.memory_space<vmem>> -> memref<64xf32, #tpu.memory_space<vmem>>
        %dma_start3A_365 = arith.constant 0 : i32
        %dma_start3A_366 = tpu.memref_slice %arg3[%reduce_sum3A_357, %dma_start3A_365] : memref<1000000x64xf32, #tpu.memory_space<hbm>> -> memref<1x64xf32, #tpu.memory_space<hbm>>
        %dma_start3A_367 = tpu.memref_squeeze %dma_start3A_366 : memref<1x64xf32, #tpu.memory_space<hbm>> -> memref<64xf32, #tpu.memory_space<hbm>>
        %dma_start3A_368 = arith.constant 0 : i32
        %dma_start3A_369 = tpu.memref_slice %arg6[%add3A_361, %dma_start3A_368] : memref<128x64xf32, #tpu.memory_space<vmem>> -> memref<1x64xf32, #tpu.memory_space<vmem>>
        %dma_start3A_370 = tpu.memref_squeeze %dma_start3A_369 : memref<1x64xf32, #tpu.memory_space<vmem>> -> memref<64xf32, #tpu.memory_space<vmem>>
        %dma_start3A_371 = arith.constant 0 : i32
        %dma_start3A_372 = tpu.memref_slice %arg3[%reduce_sum3A_357, %dma_start3A_371] : memref<1000000x64xf32, #tpu.memory_space<hbm>> -> memref<1x64xf32, #tpu.memory_space<hbm>>
        %dma_start3A_373 = tpu.memref_squeeze %dma_start3A_372 : memref<1x64xf32, #tpu.memory_space<hbm>> -> memref<64xf32, #tpu.memory_space<hbm>>
        tpu.enqueue_dma source(%dma_start3A_373 : memref<64xf32, #tpu.memory_space<hbm>>) target(%dma_start3A_370 : memref<64xf32, #tpu.memory_space<vmem>>) target_semaphore(%arg9 : memref<!tpu.dma_semaphore, #tpu.memory_space<semaphore_mem>>)
        %eq3A_374 = arith.constant 12 : i32
        %eq3A_375 = vector.broadcast %eq3A_374 : i32 to vector<16xi32>
        %eq3A_376 = arith.cmpi eq, %iota3A, %eq3A_375 : vector<16xi32>
        %jit3A_377 = arith.constant 0 : i32
        %broadcast_in_dim3A_378 = vector.broadcast %jit3A_377 : i32 to vector<16xi32>
        %select_n3A_379 = arith.select %eq3A_376, %get3A_66, %broadcast_in_dim3A_378 : vector<16xi1>, vector<16xi32>
        %reduce_sum3A_380 = arith.constant true
        %reduce_sum3A_381 = vector.broadcast %reduce_sum3A_380 : i1 to vector<16xi1>
        %reduce_sum3A_382 = tpu.scan <sum>, %select_n3A_379 masked %reduce_sum3A_381 : vector<16xi32>, vector<16xi1> -> vector<16xi32>
        %reduce_sum3A_383 = vector.extract %reduce_sum3A_382[15] : i32 from vector<16xi32>
        %mul3A_384 = arith.constant 16 : i32
        %mul3A_385 = arith.muli %add3A_60, %mul3A_384 : i32
        %add3A_386 = arith.constant 12 : i32
        %add3A_387 = arith.addi %mul3A_385, %add3A_386 : i32
        %dma_start3A_388 = arith.constant 0 : i32
        %dma_start3A_389 = tpu.memref_slice %arg6[%add3A_387, %dma_start3A_388] : memref<128x64xf32, #tpu.memory_space<vmem>> -> memref<1x64xf32, #tpu.memory_space<vmem>>
        %dma_start3A_390 = tpu.memref_squeeze %dma_start3A_389 : memref<1x64xf32, #tpu.memory_space<vmem>> -> memref<64xf32, #tpu.memory_space<vmem>>
        %dma_start3A_391 = arith.constant 0 : i32
        %dma_start3A_392 = tpu.memref_slice %arg3[%reduce_sum3A_383, %dma_start3A_391] : memref<1000000x64xf32, #tpu.memory_space<hbm>> -> memref<1x64xf32, #tpu.memory_space<hbm>>
        %dma_start3A_393 = tpu.memref_squeeze %dma_start3A_392 : memref<1x64xf32, #tpu.memory_space<hbm>> -> memref<64xf32, #tpu.memory_space<hbm>>
        %dma_start3A_394 = arith.constant 0 : i32
        %dma_start3A_395 = tpu.memref_slice %arg6[%add3A_387, %dma_start3A_394] : memref<128x64xf32, #tpu.memory_space<vmem>> -> memref<1x64xf32, #tpu.memory_space<vmem>>
        %dma_start3A_396 = tpu.memref_squeeze %dma_start3A_395 : memref<1x64xf32, #tpu.memory_space<vmem>> -> memref<64xf32, #tpu.memory_space<vmem>>
        %dma_start3A_397 = arith.constant 0 : i32
        %dma_start3A_398 = tpu.memref_slice %arg3[%reduce_sum3A_383, %dma_start3A_397] : memref<1000000x64xf32, #tpu.memory_space<hbm>> -> memref<1x64xf32, #tpu.memory_space<hbm>>
        %dma_start3A_399 = tpu.memref_squeeze %dma_start3A_398 : memref<1x64xf32, #tpu.memory_space<hbm>> -> memref<64xf32, #tpu.memory_space<hbm>>
        tpu.enqueue_dma source(%dma_start3A_399 : memref<64xf32, #tpu.memory_space<hbm>>) target(%dma_start3A_396 : memref<64xf32, #tpu.memory_space<vmem>>) target_semaphore(%arg9 : memref<!tpu.dma_semaphore, #tpu.memory_space<semaphore_mem>>)
        %eq3A_400 = arith.constant 13 : i32
        %eq3A_401 = vector.broadcast %eq3A_400 : i32 to vector<16xi32>
        %eq3A_402 = arith.cmpi eq, %iota3A, %eq3A_401 : vector<16xi32>
        %jit3A_403 = arith.constant 0 : i32
        %broadcast_in_dim3A_404 = vector.broadcast %jit3A_403 : i32 to vector<16xi32>
        %select_n3A_405 = arith.select %eq3A_402, %get3A_66, %broadcast_in_dim3A_404 : vector<16xi1>, vector<16xi32>
        %reduce_sum3A_406 = arith.constant true
        %reduce_sum3A_407 = vector.broadcast %reduce_sum3A_406 : i1 to vector<16xi1>
        %reduce_sum3A_408 = tpu.scan <sum>, %select_n3A_405 masked %reduce_sum3A_407 : vector<16xi32>, vector<16xi1> -> vector<16xi32>
        %reduce_sum3A_409 = vector.extract %reduce_sum3A_408[15] : i32 from vector<16xi32>
        %mul3A_410 = arith.constant 16 : i32
        %mul3A_411 = arith.muli %add3A_60, %mul3A_410 : i32
        %add3A_412 = arith.constant 13 : i32
        %add3A_413 = arith.addi %mul3A_411, %add3A_412 : i32
        %dma_start3A_414 = arith.constant 0 : i32
        %dma_start3A_415 = tpu.memref_slice %arg6[%add3A_413, %dma_start3A_414] : memref<128x64xf32, #tpu.memory_space<vmem>> -> memref<1x64xf32, #tpu.memory_space<vmem>>
        %dma_start3A_416 = tpu.memref_squeeze %dma_start3A_415 : memref<1x64xf32, #tpu.memory_space<vmem>> -> memref<64xf32, #tpu.memory_space<vmem>>
        %dma_start3A_417 = arith.constant 0 : i32
        %dma_start3A_418 = tpu.memref_slice %arg3[%reduce_sum3A_409, %dma_start3A_417] : memref<1000000x64xf32, #tpu.memory_space<hbm>> -> memref<1x64xf32, #tpu.memory_space<hbm>>
        %dma_start3A_419 = tpu.memref_squeeze %dma_start3A_418 : memref<1x64xf32, #tpu.memory_space<hbm>> -> memref<64xf32, #tpu.memory_space<hbm>>
        %dma_start3A_420 = arith.constant 0 : i32
        %dma_start3A_421 = tpu.memref_slice %arg6[%add3A_413, %dma_start3A_420] : memref<128x64xf32, #tpu.memory_space<vmem>> -> memref<1x64xf32, #tpu.memory_space<vmem>>
        %dma_start3A_422 = tpu.memref_squeeze %dma_start3A_421 : memref<1x64xf32, #tpu.memory_space<vmem>> -> memref<64xf32, #tpu.memory_space<vmem>>
        %dma_start3A_423 = arith.constant 0 : i32
        %dma_start3A_424 = tpu.memref_slice %arg3[%reduce_sum3A_409, %dma_start3A_423] : memref<1000000x64xf32, #tpu.memory_space<hbm>> -> memref<1x64xf32, #tpu.memory_space<hbm>>
        %dma_start3A_425 = tpu.memref_squeeze %dma_start3A_424 : memref<1x64xf32, #tpu.memory_space<hbm>> -> memref<64xf32, #tpu.memory_space<hbm>>
        tpu.enqueue_dma source(%dma_start3A_425 : memref<64xf32, #tpu.memory_space<hbm>>) target(%dma_start3A_422 : memref<64xf32, #tpu.memory_space<vmem>>) target_semaphore(%arg9 : memref<!tpu.dma_semaphore, #tpu.memory_space<semaphore_mem>>)
        %eq3A_426 = arith.constant 14 : i32
        %eq3A_427 = vector.broadcast %eq3A_426 : i32 to vector<16xi32>
        %eq3A_428 = arith.cmpi eq, %iota3A, %eq3A_427 : vector<16xi32>
        %jit3A_429 = arith.constant 0 : i32
        %broadcast_in_dim3A_430 = vector.broadcast %jit3A_429 : i32 to vector<16xi32>
        %select_n3A_431 = arith.select %eq3A_428, %get3A_66, %broadcast_in_dim3A_430 : vector<16xi1>, vector<16xi32>
        %reduce_sum3A_432 = arith.constant true
        %reduce_sum3A_433 = vector.broadcast %reduce_sum3A_432 : i1 to vector<16xi1>
        %reduce_sum3A_434 = tpu.scan <sum>, %select_n3A_431 masked %reduce_sum3A_433 : vector<16xi32>, vector<16xi1> -> vector<16xi32>
        %reduce_sum3A_435 = vector.extract %reduce_sum3A_434[15] : i32 from vector<16xi32>
        %mul3A_436 = arith.constant 16 : i32
        %mul3A_437 = arith.muli %add3A_60, %mul3A_436 : i32
        %add3A_438 = arith.constant 14 : i32
        %add3A_439 = arith.addi %mul3A_437, %add3A_438 : i32
        %dma_start3A_440 = arith.constant 0 : i32
        %dma_start3A_441 = tpu.memref_slice %arg6[%add3A_439, %dma_start3A_440] : memref<128x64xf32, #tpu.memory_space<vmem>> -> memref<1x64xf32, #tpu.memory_space<vmem>>
        %dma_start3A_442 = tpu.memref_squeeze %dma_start3A_441 : memref<1x64xf32, #tpu.memory_space<vmem>> -> memref<64xf32, #tpu.memory_space<vmem>>
        %dma_start3A_443 = arith.constant 0 : i32
        %dma_start3A_444 = tpu.memref_slice %arg3[%reduce_sum3A_435, %dma_start3A_443] : memref<1000000x64xf32, #tpu.memory_space<hbm>> -> memref<1x64xf32, #tpu.memory_space<hbm>>
        %dma_start3A_445 = tpu.memref_squeeze %dma_start3A_444 : memref<1x64xf32, #tpu.memory_space<hbm>> -> memref<64xf32, #tpu.memory_space<hbm>>
        %dma_start3A_446 = arith.constant 0 : i32
        %dma_start3A_447 = tpu.memref_slice %arg6[%add3A_439, %dma_start3A_446] : memref<128x64xf32, #tpu.memory_space<vmem>> -> memref<1x64xf32, #tpu.memory_space<vmem>>
        %dma_start3A_448 = tpu.memref_squeeze %dma_start3A_447 : memref<1x64xf32, #tpu.memory_space<vmem>> -> memref<64xf32, #tpu.memory_space<vmem>>
        %dma_start3A_449 = arith.constant 0 : i32
        %dma_start3A_450 = tpu.memref_slice %arg3[%reduce_sum3A_435, %dma_start3A_449] : memref<1000000x64xf32, #tpu.memory_space<hbm>> -> memref<1x64xf32, #tpu.memory_space<hbm>>
        %dma_start3A_451 = tpu.memref_squeeze %dma_start3A_450 : memref<1x64xf32, #tpu.memory_space<hbm>> -> memref<64xf32, #tpu.memory_space<hbm>>
        tpu.enqueue_dma source(%dma_start3A_451 : memref<64xf32, #tpu.memory_space<hbm>>) target(%dma_start3A_448 : memref<64xf32, #tpu.memory_space<vmem>>) target_semaphore(%arg9 : memref<!tpu.dma_semaphore, #tpu.memory_space<semaphore_mem>>)
        %eq3A_452 = arith.constant 15 : i32
        %eq3A_453 = vector.broadcast %eq3A_452 : i32 to vector<16xi32>
        %eq3A_454 = arith.cmpi eq, %iota3A, %eq3A_453 : vector<16xi32>
        %jit3A_455 = arith.constant 0 : i32
        %broadcast_in_dim3A_456 = vector.broadcast %jit3A_455 : i32 to vector<16xi32>
        %select_n3A_457 = arith.select %eq3A_454, %get3A_66, %broadcast_in_dim3A_456 : vector<16xi1>, vector<16xi32>
        %reduce_sum3A_458 = arith.constant true
        %reduce_sum3A_459 = vector.broadcast %reduce_sum3A_458 : i1 to vector<16xi1>
        %reduce_sum3A_460 = tpu.scan <sum>, %select_n3A_457 masked %reduce_sum3A_459 : vector<16xi32>, vector<16xi1> -> vector<16xi32>
        %reduce_sum3A_461 = vector.extract %reduce_sum3A_460[15] : i32 from vector<16xi32>
        %mul3A_462 = arith.constant 16 : i32
        %mul3A_463 = arith.muli %add3A_60, %mul3A_462 : i32
        %add3A_464 = arith.constant 15 : i32
        %add3A_465 = arith.addi %mul3A_463, %add3A_464 : i32
        %dma_start3A_466 = arith.constant 0 : i32
        %dma_start3A_467 = tpu.memref_slice %arg6[%add3A_465, %dma_start3A_466] : memref<128x64xf32, #tpu.memory_space<vmem>> -> memref<1x64xf32, #tpu.memory_space<vmem>>
        %dma_start3A_468 = tpu.memref_squeeze %dma_start3A_467 : memref<1x64xf32, #tpu.memory_space<vmem>> -> memref<64xf32, #tpu.memory_space<vmem>>
        %dma_start3A_469 = arith.constant 0 : i32
        %dma_start3A_470 = tpu.memref_slice %arg3[%reduce_sum3A_461, %dma_start3A_469] : memref<1000000x64xf32, #tpu.memory_space<hbm>> -> memref<1x64xf32, #tpu.memory_space<hbm>>
        %dma_start3A_471 = tpu.memref_squeeze %dma_start3A_470 : memref<1x64xf32, #tpu.memory_space<hbm>> -> memref<64xf32, #tpu.memory_space<hbm>>
        %dma_start3A_472 = arith.constant 0 : i32
        %dma_start3A_473 = tpu.memref_slice %arg6[%add3A_465, %dma_start3A_472] : memref<128x64xf32, #tpu.memory_space<vmem>> -> memref<1x64xf32, #tpu.memory_space<vmem>>
        %dma_start3A_474 = tpu.memref_squeeze %dma_start3A_473 : memref<1x64xf32, #tpu.memory_space<vmem>> -> memref<64xf32, #tpu.memory_space<vmem>>
        %dma_start3A_475 = arith.constant 0 : i32
        %dma_start3A_476 = tpu.memref_slice %arg3[%reduce_sum3A_461, %dma_start3A_475] : memref<1000000x64xf32, #tpu.memory_space<hbm>> -> memref<1x64xf32, #tpu.memory_space<hbm>>
        %dma_start3A_477 = tpu.memref_squeeze %dma_start3A_476 : memref<1x64xf32, #tpu.memory_space<hbm>> -> memref<64xf32, #tpu.memory_space<hbm>>
        tpu.enqueue_dma source(%dma_start3A_477 : memref<64xf32, #tpu.memory_space<hbm>>) target(%dma_start3A_474 : memref<64xf32, #tpu.memory_space<vmem>>) target_semaphore(%arg9 : memref<!tpu.dma_semaphore, #tpu.memory_space<semaphore_mem>>)
      }
      %scan3A_28 = arith.constant 8 : i32
      %add3A_29 = arith.constant 1 : i32
      %add3A_30 = arith.addi %mul3A_23, %add3A_29 : i32
      %scan3A_31 = arith.constant 0 : i32
      %scan3A_32 = arith.constant 8 : i32
      %scan3A_33 = arith.addi %scan3A_31, %scan3A_32 : i32
      %scan3A_34 = arith.constant 1 : i32
      scf.for %scan3A_56 = %scan3A_31 to %scan3A_33 step %scan3A_34  : i32 {
        %mul3A_57 = arith.constant 1 : i32
        %mul3A_58 = arith.muli %scan3A_56, %mul3A_57 : i32
        %add3A_59 = arith.constant 0 : i32
        %add3A_60 = arith.addi %add3A_59, %mul3A_58 : i32
        %mul3A_61 = arith.constant 128 : i32
        %mul3A_62 = arith.muli %add3A_30, %mul3A_61 : i32
        %mul3A_63 = arith.constant 16 : i32
        %mul3A_64 = arith.muli %add3A_60, %mul3A_63 : i32
        %add3A_65 = arith.addi %mul3A_62, %mul3A_64 : i32
        %get3A = arith.index_cast %add3A_65 : i32 to index
        %get3A_66 = tpu.vector_load %arg5[%get3A] {strides = array<i32>} : memref<2048xi32, #tpu.memory_space<vmem>>, vector<16xi32>,
        %eq3A = arith.constant 0 : i32
        %eq3A_67 = vector.broadcast %eq3A : i32 to vector<16xi32>
        %eq3A_68 = arith.cmpi eq, %iota3A, %eq3A_67 : vector<16xi32>
        %jit3A = arith.constant 0 : i32
        %broadcast_in_dim3A = vector.broadcast %jit3A : i32 to vector<16xi32>
        %select_n3A = arith.select %eq3A_68, %get3A_66, %broadcast_in_dim3A : vector<16xi1>, vector<16xi32>
        %reduce_sum3A = arith.constant true
        %reduce_sum3A_69 = vector.broadcast %reduce_sum3A : i1 to vector<16xi1>
        %reduce_sum3A_70 = tpu.scan <sum>, %select_n3A masked %reduce_sum3A_69 : vector<16xi32>, vector<16xi1> -> vector<16xi32>
        %reduce_sum3A_71 = vector.extract %reduce_sum3A_70[15] : i32 from vector<16xi32>
        %mul3A_72 = arith.constant 16 : i32
        %mul3A_73 = arith.muli %add3A_60, %mul3A_72 : i32
        %add3A_74 = arith.constant 0 : i32
        %add3A_75 = arith.addi %mul3A_73, %add3A_74 : i32
        %dma_start3A_76 = arith.constant 0 : i32
        %dma_start3A_77 = tpu.memref_slice %arg7[%add3A_75, %dma_start3A_76] : memref<128x64xf32, #tpu.memory_space<vmem>> -> memref<1x64xf32, #tpu.memory_space<vmem>>
        %dma_start3A_78 = tpu.memref_squeeze %dma_start3A_77 : memref<1x64xf32, #tpu.memory_space<vmem>> -> memref<64xf32, #tpu.memory_space<vmem>>
        %dma_start3A_79 = arith.constant 0 : i32
        %dma_start3A_80 = tpu.memref_slice %arg3[%reduce_sum3A_71, %dma_start3A_79] : memref<1000000x64xf32, #tpu.memory_space<hbm>> -> memref<1x64xf32, #tpu.memory_space<hbm>>
        %dma_start3A_81 = tpu.memref_squeeze %dma_start3A_80 : memref<1x64xf32, #tpu.memory_space<hbm>> -> memref<64xf32, #tpu.memory_space<hbm>>
        %dma_start3A_82 = arith.constant 0 : i32
        %dma_start3A_83 = tpu.memref_slice %arg7[%add3A_75, %dma_start3A_82] : memref<128x64xf32, #tpu.memory_space<vmem>> -> memref<1x64xf32, #tpu.memory_space<vmem>>
        %dma_start3A_84 = tpu.memref_squeeze %dma_start3A_83 : memref<1x64xf32, #tpu.memory_space<vmem>> -> memref<64xf32, #tpu.memory_space<vmem>>
        %dma_start3A_85 = arith.constant 0 : i32
        %dma_start3A_86 = tpu.memref_slice %arg3[%reduce_sum3A_71, %dma_start3A_85] : memref<1000000x64xf32, #tpu.memory_space<hbm>> -> memref<1x64xf32, #tpu.memory_space<hbm>>
        %dma_start3A_87 = tpu.memref_squeeze %dma_start3A_86 : memref<1x64xf32, #tpu.memory_space<hbm>> -> memref<64xf32, #tpu.memory_space<hbm>>
        tpu.enqueue_dma source(%dma_start3A_87 : memref<64xf32, #tpu.memory_space<hbm>>) target(%dma_start3A_84 : memref<64xf32, #tpu.memory_space<vmem>>) target_semaphore(%arg9 : memref<!tpu.dma_semaphore, #tpu.memory_space<semaphore_mem>>)
        %eq3A_88 = arith.constant 1 : i32
        %eq3A_89 = vector.broadcast %eq3A_88 : i32 to vector<16xi32>
        %eq3A_90 = arith.cmpi eq, %iota3A, %eq3A_89 : vector<16xi32>
        %jit3A_91 = arith.constant 0 : i32
        %broadcast_in_dim3A_92 = vector.broadcast %jit3A_91 : i32 to vector<16xi32>
        %select_n3A_93 = arith.select %eq3A_90, %get3A_66, %broadcast_in_dim3A_92 : vector<16xi1>, vector<16xi32>
        %reduce_sum3A_94 = arith.constant true
        %reduce_sum3A_95 = vector.broadcast %reduce_sum3A_94 : i1 to vector<16xi1>
        %reduce_sum3A_96 = tpu.scan <sum>, %select_n3A_93 masked %reduce_sum3A_95 : vector<16xi32>, vector<16xi1> -> vector<16xi32>
        %reduce_sum3A_97 = vector.extract %reduce_sum3A_96[15] : i32 from vector<16xi32>
        %mul3A_98 = arith.constant 16 : i32
        %mul3A_99 = arith.muli %add3A_60, %mul3A_98 : i32
        %add3A_100 = arith.constant 1 : i32
        %add3A_101 = arith.addi %mul3A_99, %add3A_100 : i32
        %dma_start3A_102 = arith.constant 0 : i32
        %dma_start3A_103 = tpu.memref_slice %arg7[%add3A_101, %dma_start3A_102] : memref<128x64xf32, #tpu.memory_space<vmem>> -> memref<1x64xf32, #tpu.memory_space<vmem>>
        %dma_start3A_104 = tpu.memref_squeeze %dma_start3A_103 : memref<1x64xf32, #tpu.memory_space<vmem>> -> memref<64xf32, #tpu.memory_space<vmem>>
        %dma_start3A_105 = arith.constant 0 : i32
        %dma_start3A_106 = tpu.memref_slice %arg3[%reduce_sum3A_97, %dma_start3A_105] : memref<1000000x64xf32, #tpu.memory_space<hbm>> -> memref<1x64xf32, #tpu.memory_space<hbm>>
        %dma_start3A_107 = tpu.memref_squeeze %dma_start3A_106 : memref<1x64xf32, #tpu.memory_space<hbm>> -> memref<64xf32, #tpu.memory_space<hbm>>
        %dma_start3A_108 = arith.constant 0 : i32
        %dma_start3A_109 = tpu.memref_slice %arg7[%add3A_101, %dma_start3A_108] : memref<128x64xf32, #tpu.memory_space<vmem>> -> memref<1x64xf32, #tpu.memory_space<vmem>>
        %dma_start3A_110 = tpu.memref_squeeze %dma_start3A_109 : memref<1x64xf32, #tpu.memory_space<vmem>> -> memref<64xf32, #tpu.memory_space<vmem>>
        %dma_start3A_111 = arith.constant 0 : i32
        %dma_start3A_112 = tpu.memref_slice %arg3[%reduce_sum3A_97, %dma_start3A_111] : memref<1000000x64xf32, #tpu.memory_space<hbm>> -> memref<1x64xf32, #tpu.memory_space<hbm>>
        %dma_start3A_113 = tpu.memref_squeeze %dma_start3A_112 : memref<1x64xf32, #tpu.memory_space<hbm>> -> memref<64xf32, #tpu.memory_space<hbm>>
        tpu.enqueue_dma source(%dma_start3A_113 : memref<64xf32, #tpu.memory_space<hbm>>) target(%dma_start3A_110 : memref<64xf32, #tpu.memory_space<vmem>>) target_semaphore(%arg9 : memref<!tpu.dma_semaphore, #tpu.memory_space<semaphore_mem>>)
        %eq3A_114 = arith.constant 2 : i32
        %eq3A_115 = vector.broadcast %eq3A_114 : i32 to vector<16xi32>
        %eq3A_116 = arith.cmpi eq, %iota3A, %eq3A_115 : vector<16xi32>
        %jit3A_117 = arith.constant 0 : i32
        %broadcast_in_dim3A_118 = vector.broadcast %jit3A_117 : i32 to vector<16xi32>
        %select_n3A_119 = arith.select %eq3A_116, %get3A_66, %broadcast_in_dim3A_118 : vector<16xi1>, vector<16xi32>
        %reduce_sum3A_120 = arith.constant true
        %reduce_sum3A_121 = vector.broadcast %reduce_sum3A_120 : i1 to vector<16xi1>
        %reduce_sum3A_122 = tpu.scan <sum>, %select_n3A_119 masked %reduce_sum3A_121 : vector<16xi32>, vector<16xi1> -> vector<16xi32>
        %reduce_sum3A_123 = vector.extract %reduce_sum3A_122[15] : i32 from vector<16xi32>
        %mul3A_124 = arith.constant 16 : i32
        %mul3A_125 = arith.muli %add3A_60, %mul3A_124 : i32
        %add3A_126 = arith.constant 2 : i32
        %add3A_127 = arith.addi %mul3A_125, %add3A_126 : i32
        %dma_start3A_128 = arith.constant 0 : i32
        %dma_start3A_129 = tpu.memref_slice %arg7[%add3A_127, %dma_start3A_128] : memref<128x64xf32, #tpu.memory_space<vmem>> -> memref<1x64xf32, #tpu.memory_space<vmem>>
        %dma_start3A_130 = tpu.memref_squeeze %dma_start3A_129 : memref<1x64xf32, #tpu.memory_space<vmem>> -> memref<64xf32, #tpu.memory_space<vmem>>
        %dma_start3A_131 = arith.constant 0 : i32
        %dma_start3A_132 = tpu.memref_slice %arg3[%reduce_sum3A_123, %dma_start3A_131] : memref<1000000x64xf32, #tpu.memory_space<hbm>> -> memref<1x64xf32, #tpu.memory_space<hbm>>
        %dma_start3A_133 = tpu.memref_squeeze %dma_start3A_132 : memref<1x64xf32, #tpu.memory_space<hbm>> -> memref<64xf32, #tpu.memory_space<hbm>>
        %dma_start3A_134 = arith.constant 0 : i32
        %dma_start3A_135 = tpu.memref_slice %arg7[%add3A_127, %dma_start3A_134] : memref<128x64xf32, #tpu.memory_space<vmem>> -> memref<1x64xf32, #tpu.memory_space<vmem>>
        %dma_start3A_136 = tpu.memref_squeeze %dma_start3A_135 : memref<1x64xf32, #tpu.memory_space<vmem>> -> memref<64xf32, #tpu.memory_space<vmem>>
        %dma_start3A_137 = arith.constant 0 : i32
        %dma_start3A_138 = tpu.memref_slice %arg3[%reduce_sum3A_123, %dma_start3A_137] : memref<1000000x64xf32, #tpu.memory_space<hbm>> -> memref<1x64xf32, #tpu.memory_space<hbm>>
        %dma_start3A_139 = tpu.memref_squeeze %dma_start3A_138 : memref<1x64xf32, #tpu.memory_space<hbm>> -> memref<64xf32, #tpu.memory_space<hbm>>
        tpu.enqueue_dma source(%dma_start3A_139 : memref<64xf32, #tpu.memory_space<hbm>>) target(%dma_start3A_136 : memref<64xf32, #tpu.memory_space<vmem>>) target_semaphore(%arg9 : memref<!tpu.dma_semaphore, #tpu.memory_space<semaphore_mem>>)
        %eq3A_140 = arith.constant 3 : i32
        %eq3A_141 = vector.broadcast %eq3A_140 : i32 to vector<16xi32>
        %eq3A_142 = arith.cmpi eq, %iota3A, %eq3A_141 : vector<16xi32>
        %jit3A_143 = arith.constant 0 : i32
        %broadcast_in_dim3A_144 = vector.broadcast %jit3A_143 : i32 to vector<16xi32>
        %select_n3A_145 = arith.select %eq3A_142, %get3A_66, %broadcast_in_dim3A_144 : vector<16xi1>, vector<16xi32>
        %reduce_sum3A_146 = arith.constant true
        %reduce_sum3A_147 = vector.broadcast %reduce_sum3A_146 : i1 to vector<16xi1>
        %reduce_sum3A_148 = tpu.scan <sum>, %select_n3A_145 masked %reduce_sum3A_147 : vector<16xi32>, vector<16xi1> -> vector<16xi32>
        %reduce_sum3A_149 = vector.extract %reduce_sum3A_148[15] : i32 from vector<16xi32>
        %mul3A_150 = arith.constant 16 : i32
        %mul3A_151 = arith.muli %add3A_60, %mul3A_150 : i32
        %add3A_152 = arith.constant 3 : i32
        %add3A_153 = arith.addi %mul3A_151, %add3A_152 : i32
        %dma_start3A_154 = arith.constant 0 : i32
        %dma_start3A_155 = tpu.memref_slice %arg7[%add3A_153, %dma_start3A_154] : memref<128x64xf32, #tpu.memory_space<vmem>> -> memref<1x64xf32, #tpu.memory_space<vmem>>
        %dma_start3A_156 = tpu.memref_squeeze %dma_start3A_155 : memref<1x64xf32, #tpu.memory_space<vmem>> -> memref<64xf32, #tpu.memory_space<vmem>>
        %dma_start3A_157 = arith.constant 0 : i32
        %dma_start3A_158 = tpu.memref_slice %arg3[%reduce_sum3A_149, %dma_start3A_157] : memref<1000000x64xf32, #tpu.memory_space<hbm>> -> memref<1x64xf32, #tpu.memory_space<hbm>>
        %dma_start3A_159 = tpu.memref_squeeze %dma_start3A_158 : memref<1x64xf32, #tpu.memory_space<hbm>> -> memref<64xf32, #tpu.memory_space<hbm>>
        %dma_start3A_160 = arith.constant 0 : i32
        %dma_start3A_161 = tpu.memref_slice %arg7[%add3A_153, %dma_start3A_160] : memref<128x64xf32, #tpu.memory_space<vmem>> -> memref<1x64xf32, #tpu.memory_space<vmem>>
        %dma_start3A_162 = tpu.memref_squeeze %dma_start3A_161 : memref<1x64xf32, #tpu.memory_space<vmem>> -> memref<64xf32, #tpu.memory_space<vmem>>
        %dma_start3A_163 = arith.constant 0 : i32
        %dma_start3A_164 = tpu.memref_slice %arg3[%reduce_sum3A_149, %dma_start3A_163] : memref<1000000x64xf32, #tpu.memory_space<hbm>> -> memref<1x64xf32, #tpu.memory_space<hbm>>
        %dma_start3A_165 = tpu.memref_squeeze %dma_start3A_164 : memref<1x64xf32, #tpu.memory_space<hbm>> -> memref<64xf32, #tpu.memory_space<hbm>>
        tpu.enqueue_dma source(%dma_start3A_165 : memref<64xf32, #tpu.memory_space<hbm>>) target(%dma_start3A_162 : memref<64xf32, #tpu.memory_space<vmem>>) target_semaphore(%arg9 : memref<!tpu.dma_semaphore, #tpu.memory_space<semaphore_mem>>)
        %eq3A_166 = arith.constant 4 : i32
        %eq3A_167 = vector.broadcast %eq3A_166 : i32 to vector<16xi32>
        %eq3A_168 = arith.cmpi eq, %iota3A, %eq3A_167 : vector<16xi32>
        %jit3A_169 = arith.constant 0 : i32
        %broadcast_in_dim3A_170 = vector.broadcast %jit3A_169 : i32 to vector<16xi32>
        %select_n3A_171 = arith.select %eq3A_168, %get3A_66, %broadcast_in_dim3A_170 : vector<16xi1>, vector<16xi32>
        %reduce_sum3A_172 = arith.constant true
        %reduce_sum3A_173 = vector.broadcast %reduce_sum3A_172 : i1 to vector<16xi1>
        %reduce_sum3A_174 = tpu.scan <sum>, %select_n3A_171 masked %reduce_sum3A_173 : vector<16xi32>, vector<16xi1> -> vector<16xi32>
        %reduce_sum3A_175 = vector.extract %reduce_sum3A_174[15] : i32 from vector<16xi32>
        %mul3A_176 = arith.constant 16 : i32
        %mul3A_177 = arith.muli %add3A_60, %mul3A_176 : i32
        %add3A_178 = arith.constant 4 : i32
        %add3A_179 = arith.addi %mul3A_177, %add3A_178 : i32
        %dma_start3A_180 = arith.constant 0 : i32
        %dma_start3A_181 = tpu.memref_slice %arg7[%add3A_179, %dma_start3A_180] : memref<128x64xf32, #tpu.memory_space<vmem>> -> memref<1x64xf32, #tpu.memory_space<vmem>>
        %dma_start3A_182 = tpu.memref_squeeze %dma_start3A_181 : memref<1x64xf32, #tpu.memory_space<vmem>> -> memref<64xf32, #tpu.memory_space<vmem>>
        %dma_start3A_183 = arith.constant 0 : i32
        %dma_start3A_184 = tpu.memref_slice %arg3[%reduce_sum3A_175, %dma_start3A_183] : memref<1000000x64xf32, #tpu.memory_space<hbm>> -> memref<1x64xf32, #tpu.memory_space<hbm>>
        %dma_start3A_185 = tpu.memref_squeeze %dma_start3A_184 : memref<1x64xf32, #tpu.memory_space<hbm>> -> memref<64xf32, #tpu.memory_space<hbm>>
        %dma_start3A_186 = arith.constant 0 : i32
        %dma_start3A_187 = tpu.memref_slice %arg7[%add3A_179, %dma_start3A_186] : memref<128x64xf32, #tpu.memory_space<vmem>> -> memref<1x64xf32, #tpu.memory_space<vmem>>
        %dma_start3A_188 = tpu.memref_squeeze %dma_start3A_187 : memref<1x64xf32, #tpu.memory_space<vmem>> -> memref<64xf32, #tpu.memory_space<vmem>>
        %dma_start3A_189 = arith.constant 0 : i32
        %dma_start3A_190 = tpu.memref_slice %arg3[%reduce_sum3A_175, %dma_start3A_189] : memref<1000000x64xf32, #tpu.memory_space<hbm>> -> memref<1x64xf32, #tpu.memory_space<hbm>>
        %dma_start3A_191 = tpu.memref_squeeze %dma_start3A_190 : memref<1x64xf32, #tpu.memory_space<hbm>> -> memref<64xf32, #tpu.memory_space<hbm>>
        tpu.enqueue_dma source(%dma_start3A_191 : memref<64xf32, #tpu.memory_space<hbm>>) target(%dma_start3A_188 : memref<64xf32, #tpu.memory_space<vmem>>) target_semaphore(%arg9 : memref<!tpu.dma_semaphore, #tpu.memory_space<semaphore_mem>>)
        %eq3A_192 = arith.constant 5 : i32
        %eq3A_193 = vector.broadcast %eq3A_192 : i32 to vector<16xi32>
        %eq3A_194 = arith.cmpi eq, %iota3A, %eq3A_193 : vector<16xi32>
        %jit3A_195 = arith.constant 0 : i32
        %broadcast_in_dim3A_196 = vector.broadcast %jit3A_195 : i32 to vector<16xi32>
        %select_n3A_197 = arith.select %eq3A_194, %get3A_66, %broadcast_in_dim3A_196 : vector<16xi1>, vector<16xi32>
        %reduce_sum3A_198 = arith.constant true
        %reduce_sum3A_199 = vector.broadcast %reduce_sum3A_198 : i1 to vector<16xi1>
        %reduce_sum3A_200 = tpu.scan <sum>, %select_n3A_197 masked %reduce_sum3A_199 : vector<16xi32>, vector<16xi1> -> vector<16xi32>
        %reduce_sum3A_201 = vector.extract %reduce_sum3A_200[15] : i32 from vector<16xi32>
        %mul3A_202 = arith.constant 16 : i32
        %mul3A_203 = arith.muli %add3A_60, %mul3A_202 : i32
        %add3A_204 = arith.constant 5 : i32
        %add3A_205 = arith.addi %mul3A_203, %add3A_204 : i32
        %dma_start3A_206 = arith.constant 0 : i32
        %dma_start3A_207 = tpu.memref_slice %arg7[%add3A_205, %dma_start3A_206] : memref<128x64xf32, #tpu.memory_space<vmem>> -> memref<1x64xf32, #tpu.memory_space<vmem>>
        %dma_start3A_208 = tpu.memref_squeeze %dma_start3A_207 : memref<1x64xf32, #tpu.memory_space<vmem>> -> memref<64xf32, #tpu.memory_space<vmem>>
        %dma_start3A_209 = arith.constant 0 : i32
        %dma_start3A_210 = tpu.memref_slice %arg3[%reduce_sum3A_201, %dma_start3A_209] : memref<1000000x64xf32, #tpu.memory_space<hbm>> -> memref<1x64xf32, #tpu.memory_space<hbm>>
        %dma_start3A_211 = tpu.memref_squeeze %dma_start3A_210 : memref<1x64xf32, #tpu.memory_space<hbm>> -> memref<64xf32, #tpu.memory_space<hbm>>
        %dma_start3A_212 = arith.constant 0 : i32
        %dma_start3A_213 = tpu.memref_slice %arg7[%add3A_205, %dma_start3A_212] : memref<128x64xf32, #tpu.memory_space<vmem>> -> memref<1x64xf32, #tpu.memory_space<vmem>>
        %dma_start3A_214 = tpu.memref_squeeze %dma_start3A_213 : memref<1x64xf32, #tpu.memory_space<vmem>> -> memref<64xf32, #tpu.memory_space<vmem>>
        %dma_start3A_215 = arith.constant 0 : i32
        %dma_start3A_216 = tpu.memref_slice %arg3[%reduce_sum3A_201, %dma_start3A_215] : memref<1000000x64xf32, #tpu.memory_space<hbm>> -> memref<1x64xf32, #tpu.memory_space<hbm>>
        %dma_start3A_217 = tpu.memref_squeeze %dma_start3A_216 : memref<1x64xf32, #tpu.memory_space<hbm>> -> memref<64xf32, #tpu.memory_space<hbm>>
        tpu.enqueue_dma source(%dma_start3A_217 : memref<64xf32, #tpu.memory_space<hbm>>) target(%dma_start3A_214 : memref<64xf32, #tpu.memory_space<vmem>>) target_semaphore(%arg9 : memref<!tpu.dma_semaphore, #tpu.memory_space<semaphore_mem>>)
        %eq3A_218 = arith.constant 6 : i32
        %eq3A_219 = vector.broadcast %eq3A_218 : i32 to vector<16xi32>
        %eq3A_220 = arith.cmpi eq, %iota3A, %eq3A_219 : vector<16xi32>
        %jit3A_221 = arith.constant 0 : i32
        %broadcast_in_dim3A_222 = vector.broadcast %jit3A_221 : i32 to vector<16xi32>
        %select_n3A_223 = arith.select %eq3A_220, %get3A_66, %broadcast_in_dim3A_222 : vector<16xi1>, vector<16xi32>
        %reduce_sum3A_224 = arith.constant true
        %reduce_sum3A_225 = vector.broadcast %reduce_sum3A_224 : i1 to vector<16xi1>
        %reduce_sum3A_226 = tpu.scan <sum>, %select_n3A_223 masked %reduce_sum3A_225 : vector<16xi32>, vector<16xi1> -> vector<16xi32>
        %reduce_sum3A_227 = vector.extract %reduce_sum3A_226[15] : i32 from vector<16xi32>
        %mul3A_228 = arith.constant 16 : i32
        %mul3A_229 = arith.muli %add3A_60, %mul3A_228 : i32
        %add3A_230 = arith.constant 6 : i32
        %add3A_231 = arith.addi %mul3A_229, %add3A_230 : i32
        %dma_start3A_232 = arith.constant 0 : i32
        %dma_start3A_233 = tpu.memref_slice %arg7[%add3A_231, %dma_start3A_232] : memref<128x64xf32, #tpu.memory_space<vmem>> -> memref<1x64xf32, #tpu.memory_space<vmem>>
        %dma_start3A_234 = tpu.memref_squeeze %dma_start3A_233 : memref<1x64xf32, #tpu.memory_space<vmem>> -> memref<64xf32, #tpu.memory_space<vmem>>
        %dma_start3A_235 = arith.constant 0 : i32
        %dma_start3A_236 = tpu.memref_slice %arg3[%reduce_sum3A_227, %dma_start3A_235] : memref<1000000x64xf32, #tpu.memory_space<hbm>> -> memref<1x64xf32, #tpu.memory_space<hbm>>
        %dma_start3A_237 = tpu.memref_squeeze %dma_start3A_236 : memref<1x64xf32, #tpu.memory_space<hbm>> -> memref<64xf32, #tpu.memory_space<hbm>>
        %dma_start3A_238 = arith.constant 0 : i32
        %dma_start3A_239 = tpu.memref_slice %arg7[%add3A_231, %dma_start3A_238] : memref<128x64xf32, #tpu.memory_space<vmem>> -> memref<1x64xf32, #tpu.memory_space<vmem>>
        %dma_start3A_240 = tpu.memref_squeeze %dma_start3A_239 : memref<1x64xf32, #tpu.memory_space<vmem>> -> memref<64xf32, #tpu.memory_space<vmem>>
        %dma_start3A_241 = arith.constant 0 : i32
        %dma_start3A_242 = tpu.memref_slice %arg3[%reduce_sum3A_227, %dma_start3A_241] : memref<1000000x64xf32, #tpu.memory_space<hbm>> -> memref<1x64xf32, #tpu.memory_space<hbm>>
        %dma_start3A_243 = tpu.memref_squeeze %dma_start3A_242 : memref<1x64xf32, #tpu.memory_space<hbm>> -> memref<64xf32, #tpu.memory_space<hbm>>
        tpu.enqueue_dma source(%dma_start3A_243 : memref<64xf32, #tpu.memory_space<hbm>>) target(%dma_start3A_240 : memref<64xf32, #tpu.memory_space<vmem>>) target_semaphore(%arg9 : memref<!tpu.dma_semaphore, #tpu.memory_space<semaphore_mem>>)
        %eq3A_244 = arith.constant 7 : i32
        %eq3A_245 = vector.broadcast %eq3A_244 : i32 to vector<16xi32>
        %eq3A_246 = arith.cmpi eq, %iota3A, %eq3A_245 : vector<16xi32>
        %jit3A_247 = arith.constant 0 : i32
        %broadcast_in_dim3A_248 = vector.broadcast %jit3A_247 : i32 to vector<16xi32>
        %select_n3A_249 = arith.select %eq3A_246, %get3A_66, %broadcast_in_dim3A_248 : vector<16xi1>, vector<16xi32>
        %reduce_sum3A_250 = arith.constant true
        %reduce_sum3A_251 = vector.broadcast %reduce_sum3A_250 : i1 to vector<16xi1>
        %reduce_sum3A_252 = tpu.scan <sum>, %select_n3A_249 masked %reduce_sum3A_251 : vector<16xi32>, vector<16xi1> -> vector<16xi32>
        %reduce_sum3A_253 = vector.extract %reduce_sum3A_252[15] : i32 from vector<16xi32>
        %mul3A_254 = arith.constant 16 : i32
        %mul3A_255 = arith.muli %add3A_60, %mul3A_254 : i32
        %add3A_256 = arith.constant 7 : i32
        %add3A_257 = arith.addi %mul3A_255, %add3A_256 : i32
        %dma_start3A_258 = arith.constant 0 : i32
        %dma_start3A_259 = tpu.memref_slice %arg7[%add3A_257, %dma_start3A_258] : memref<128x64xf32, #tpu.memory_space<vmem>> -> memref<1x64xf32, #tpu.memory_space<vmem>>
        %dma_start3A_260 = tpu.memref_squeeze %dma_start3A_259 : memref<1x64xf32, #tpu.memory_space<vmem>> -> memref<64xf32, #tpu.memory_space<vmem>>
        %dma_start3A_261 = arith.constant 0 : i32
        %dma_start3A_262 = tpu.memref_slice %arg3[%reduce_sum3A_253, %dma_start3A_261] : memref<1000000x64xf32, #tpu.memory_space<hbm>> -> memref<1x64xf32, #tpu.memory_space<hbm>>
        %dma_start3A_263 = tpu.memref_squeeze %dma_start3A_262 : memref<1x64xf32, #tpu.memory_space<hbm>> -> memref<64xf32, #tpu.memory_space<hbm>>
        %dma_start3A_264 = arith.constant 0 : i32
        %dma_start3A_265 = tpu.memref_slice %arg7[%add3A_257, %dma_start3A_264] : memref<128x64xf32, #tpu.memory_space<vmem>> -> memref<1x64xf32, #tpu.memory_space<vmem>>
        %dma_start3A_266 = tpu.memref_squeeze %dma_start3A_265 : memref<1x64xf32, #tpu.memory_space<vmem>> -> memref<64xf32, #tpu.memory_space<vmem>>
        %dma_start3A_267 = arith.constant 0 : i32
        %dma_start3A_268 = tpu.memref_slice %arg3[%reduce_sum3A_253, %dma_start3A_267] : memref<1000000x64xf32, #tpu.memory_space<hbm>> -> memref<1x64xf32, #tpu.memory_space<hbm>>
        %dma_start3A_269 = tpu.memref_squeeze %dma_start3A_268 : memref<1x64xf32, #tpu.memory_space<hbm>> -> memref<64xf32, #tpu.memory_space<hbm>>
        tpu.enqueue_dma source(%dma_start3A_269 : memref<64xf32, #tpu.memory_space<hbm>>) target(%dma_start3A_266 : memref<64xf32, #tpu.memory_space<vmem>>) target_semaphore(%arg9 : memref<!tpu.dma_semaphore, #tpu.memory_space<semaphore_mem>>)
        %eq3A_270 = arith.constant 8 : i32
        %eq3A_271 = vector.broadcast %eq3A_270 : i32 to vector<16xi32>
        %eq3A_272 = arith.cmpi eq, %iota3A, %eq3A_271 : vector<16xi32>
        %jit3A_273 = arith.constant 0 : i32
        %broadcast_in_dim3A_274 = vector.broadcast %jit3A_273 : i32 to vector<16xi32>
        %select_n3A_275 = arith.select %eq3A_272, %get3A_66, %broadcast_in_dim3A_274 : vector<16xi1>, vector<16xi32>
        %reduce_sum3A_276 = arith.constant true
        %reduce_sum3A_277 = vector.broadcast %reduce_sum3A_276 : i1 to vector<16xi1>
        %reduce_sum3A_278 = tpu.scan <sum>, %select_n3A_275 masked %reduce_sum3A_277 : vector<16xi32>, vector<16xi1> -> vector<16xi32>
        %reduce_sum3A_279 = vector.extract %reduce_sum3A_278[15] : i32 from vector<16xi32>
        %mul3A_280 = arith.constant 16 : i32
        %mul3A_281 = arith.muli %add3A_60, %mul3A_280 : i32
        %add3A_282 = arith.constant 8 : i32
        %add3A_283 = arith.addi %mul3A_281, %add3A_282 : i32
        %dma_start3A_284 = arith.constant 0 : i32
        %dma_start3A_285 = tpu.memref_slice %arg7[%add3A_283, %dma_start3A_284] : memref<128x64xf32, #tpu.memory_space<vmem>> -> memref<1x64xf32, #tpu.memory_space<vmem>>
        %dma_start3A_286 = tpu.memref_squeeze %dma_start3A_285 : memref<1x64xf32, #tpu.memory_space<vmem>> -> memref<64xf32, #tpu.memory_space<vmem>>
        %dma_start3A_287 = arith.constant 0 : i32
        %dma_start3A_288 = tpu.memref_slice %arg3[%reduce_sum3A_279, %dma_start3A_287] : memref<1000000x64xf32, #tpu.memory_space<hbm>> -> memref<1x64xf32, #tpu.memory_space<hbm>>
        %dma_start3A_289 = tpu.memref_squeeze %dma_start3A_288 : memref<1x64xf32, #tpu.memory_space<hbm>> -> memref<64xf32, #tpu.memory_space<hbm>>
        %dma_start3A_290 = arith.constant 0 : i32
        %dma_start3A_291 = tpu.memref_slice %arg7[%add3A_283, %dma_start3A_290] : memref<128x64xf32, #tpu.memory_space<vmem>> -> memref<1x64xf32, #tpu.memory_space<vmem>>
        %dma_start3A_292 = tpu.memref_squeeze %dma_start3A_291 : memref<1x64xf32, #tpu.memory_space<vmem>> -> memref<64xf32, #tpu.memory_space<vmem>>
        %dma_start3A_293 = arith.constant 0 : i32
        %dma_start3A_294 = tpu.memref_slice %arg3[%reduce_sum3A_279, %dma_start3A_293] : memref<1000000x64xf32, #tpu.memory_space<hbm>> -> memref<1x64xf32, #tpu.memory_space<hbm>>
        %dma_start3A_295 = tpu.memref_squeeze %dma_start3A_294 : memref<1x64xf32, #tpu.memory_space<hbm>> -> memref<64xf32, #tpu.memory_space<hbm>>
        tpu.enqueue_dma source(%dma_start3A_295 : memref<64xf32, #tpu.memory_space<hbm>>) target(%dma_start3A_292 : memref<64xf32, #tpu.memory_space<vmem>>) target_semaphore(%arg9 : memref<!tpu.dma_semaphore, #tpu.memory_space<semaphore_mem>>)
        %eq3A_296 = arith.constant 9 : i32
        %eq3A_297 = vector.broadcast %eq3A_296 : i32 to vector<16xi32>
        %eq3A_298 = arith.cmpi eq, %iota3A, %eq3A_297 : vector<16xi32>
        %jit3A_299 = arith.constant 0 : i32
        %broadcast_in_dim3A_300 = vector.broadcast %jit3A_299 : i32 to vector<16xi32>
        %select_n3A_301 = arith.select %eq3A_298, %get3A_66, %broadcast_in_dim3A_300 : vector<16xi1>, vector<16xi32>
        %reduce_sum3A_302 = arith.constant true
        %reduce_sum3A_303 = vector.broadcast %reduce_sum3A_302 : i1 to vector<16xi1>
        %reduce_sum3A_304 = tpu.scan <sum>, %select_n3A_301 masked %reduce_sum3A_303 : vector<16xi32>, vector<16xi1> -> vector<16xi32>
        %reduce_sum3A_305 = vector.extract %reduce_sum3A_304[15] : i32 from vector<16xi32>
        %mul3A_306 = arith.constant 16 : i32
        %mul3A_307 = arith.muli %add3A_60, %mul3A_306 : i32
        %add3A_308 = arith.constant 9 : i32
        %add3A_309 = arith.addi %mul3A_307, %add3A_308 : i32
        %dma_start3A_310 = arith.constant 0 : i32
        %dma_start3A_311 = tpu.memref_slice %arg7[%add3A_309, %dma_start3A_310] : memref<128x64xf32, #tpu.memory_space<vmem>> -> memref<1x64xf32, #tpu.memory_space<vmem>>
        %dma_start3A_312 = tpu.memref_squeeze %dma_start3A_311 : memref<1x64xf32, #tpu.memory_space<vmem>> -> memref<64xf32, #tpu.memory_space<vmem>>
        %dma_start3A_313 = arith.constant 0 : i32
        %dma_start3A_314 = tpu.memref_slice %arg3[%reduce_sum3A_305, %dma_start3A_313] : memref<1000000x64xf32, #tpu.memory_space<hbm>> -> memref<1x64xf32, #tpu.memory_space<hbm>>
        %dma_start3A_315 = tpu.memref_squeeze %dma_start3A_314 : memref<1x64xf32, #tpu.memory_space<hbm>> -> memref<64xf32, #tpu.memory_space<hbm>>
        %dma_start3A_316 = arith.constant 0 : i32
        %dma_start3A_317 = tpu.memref_slice %arg7[%add3A_309, %dma_start3A_316] : memref<128x64xf32, #tpu.memory_space<vmem>> -> memref<1x64xf32, #tpu.memory_space<vmem>>
        %dma_start3A_318 = tpu.memref_squeeze %dma_start3A_317 : memref<1x64xf32, #tpu.memory_space<vmem>> -> memref<64xf32, #tpu.memory_space<vmem>>
        %dma_start3A_319 = arith.constant 0 : i32
        %dma_start3A_320 = tpu.memref_slice %arg3[%reduce_sum3A_305, %dma_start3A_319] : memref<1000000x64xf32, #tpu.memory_space<hbm>> -> memref<1x64xf32, #tpu.memory_space<hbm>>
        %dma_start3A_321 = tpu.memref_squeeze %dma_start3A_320 : memref<1x64xf32, #tpu.memory_space<hbm>> -> memref<64xf32, #tpu.memory_space<hbm>>
        tpu.enqueue_dma source(%dma_start3A_321 : memref<64xf32, #tpu.memory_space<hbm>>) target(%dma_start3A_318 : memref<64xf32, #tpu.memory_space<vmem>>) target_semaphore(%arg9 : memref<!tpu.dma_semaphore, #tpu.memory_space<semaphore_mem>>)
        %eq3A_322 = arith.constant 10 : i32
        %eq3A_323 = vector.broadcast %eq3A_322 : i32 to vector<16xi32>
        %eq3A_324 = arith.cmpi eq, %iota3A, %eq3A_323 : vector<16xi32>
        %jit3A_325 = arith.constant 0 : i32
        %broadcast_in_dim3A_326 = vector.broadcast %jit3A_325 : i32 to vector<16xi32>
        %select_n3A_327 = arith.select %eq3A_324, %get3A_66, %broadcast_in_dim3A_326 : vector<16xi1>, vector<16xi32>
        %reduce_sum3A_328 = arith.constant true
        %reduce_sum3A_329 = vector.broadcast %reduce_sum3A_328 : i1 to vector<16xi1>
        %reduce_sum3A_330 = tpu.scan <sum>, %select_n3A_327 masked %reduce_sum3A_329 : vector<16xi32>, vector<16xi1> -> vector<16xi32>
        %reduce_sum3A_331 = vector.extract %reduce_sum3A_330[15] : i32 from vector<16xi32>
        %mul3A_332 = arith.constant 16 : i32
        %mul3A_333 = arith.muli %add3A_60, %mul3A_332 : i32
        %add3A_334 = arith.constant 10 : i32
        %add3A_335 = arith.addi %mul3A_333, %add3A_334 : i32
        %dma_start3A_336 = arith.constant 0 : i32
        %dma_start3A_337 = tpu.memref_slice %arg7[%add3A_335, %dma_start3A_336] : memref<128x64xf32, #tpu.memory_space<vmem>> -> memref<1x64xf32, #tpu.memory_space<vmem>>
        %dma_start3A_338 = tpu.memref_squeeze %dma_start3A_337 : memref<1x64xf32, #tpu.memory_space<vmem>> -> memref<64xf32, #tpu.memory_space<vmem>>
        %dma_start3A_339 = arith.constant 0 : i32
        %dma_start3A_340 = tpu.memref_slice %arg3[%reduce_sum3A_331, %dma_start3A_339] : memref<1000000x64xf32, #tpu.memory_space<hbm>> -> memref<1x64xf32, #tpu.memory_space<hbm>>
        %dma_start3A_341 = tpu.memref_squeeze %dma_start3A_340 : memref<1x64xf32, #tpu.memory_space<hbm>> -> memref<64xf32, #tpu.memory_space<hbm>>
        %dma_start3A_342 = arith.constant 0 : i32
        %dma_start3A_343 = tpu.memref_slice %arg7[%add3A_335, %dma_start3A_342] : memref<128x64xf32, #tpu.memory_space<vmem>> -> memref<1x64xf32, #tpu.memory_space<vmem>>
        %dma_start3A_344 = tpu.memref_squeeze %dma_start3A_343 : memref<1x64xf32, #tpu.memory_space<vmem>> -> memref<64xf32, #tpu.memory_space<vmem>>
        %dma_start3A_345 = arith.constant 0 : i32
        %dma_start3A_346 = tpu.memref_slice %arg3[%reduce_sum3A_331, %dma_start3A_345] : memref<1000000x64xf32, #tpu.memory_space<hbm>> -> memref<1x64xf32, #tpu.memory_space<hbm>>
        %dma_start3A_347 = tpu.memref_squeeze %dma_start3A_346 : memref<1x64xf32, #tpu.memory_space<hbm>> -> memref<64xf32, #tpu.memory_space<hbm>>
        tpu.enqueue_dma source(%dma_start3A_347 : memref<64xf32, #tpu.memory_space<hbm>>) target(%dma_start3A_344 : memref<64xf32, #tpu.memory_space<vmem>>) target_semaphore(%arg9 : memref<!tpu.dma_semaphore, #tpu.memory_space<semaphore_mem>>)
        %eq3A_348 = arith.constant 11 : i32
        %eq3A_349 = vector.broadcast %eq3A_348 : i32 to vector<16xi32>
        %eq3A_350 = arith.cmpi eq, %iota3A, %eq3A_349 : vector<16xi32>
        %jit3A_351 = arith.constant 0 : i32
        %broadcast_in_dim3A_352 = vector.broadcast %jit3A_351 : i32 to vector<16xi32>
        %select_n3A_353 = arith.select %eq3A_350, %get3A_66, %broadcast_in_dim3A_352 : vector<16xi1>, vector<16xi32>
        %reduce_sum3A_354 = arith.constant true
        %reduce_sum3A_355 = vector.broadcast %reduce_sum3A_354 : i1 to vector<16xi1>
        %reduce_sum3A_356 = tpu.scan <sum>, %select_n3A_353 masked %reduce_sum3A_355 : vector<16xi32>, vector<16xi1> -> vector<16xi32>
        %reduce_sum3A_357 = vector.extract %reduce_sum3A_356[15] : i32 from vector<16xi32>
        %mul3A_358 = arith.constant 16 : i32
        %mul3A_359 = arith.muli %add3A_60, %mul3A_358 : i32
        %add3A_360 = arith.constant 11 : i32
        %add3A_361 = arith.addi %mul3A_359, %add3A_360 : i32
        %dma_start3A_362 = arith.constant 0 : i32
        %dma_start3A_363 = tpu.memref_slice %arg7[%add3A_361, %dma_start3A_362] : memref<128x64xf32, #tpu.memory_space<vmem>> -> memref<1x64xf32, #tpu.memory_space<vmem>>
        %dma_start3A_364 = tpu.memref_squeeze %dma_start3A_363 : memref<1x64xf32, #tpu.memory_space<vmem>> -> memref<64xf32, #tpu.memory_space<vmem>>
        %dma_start3A_365 = arith.constant 0 : i32
        %dma_start3A_366 = tpu.memref_slice %arg3[%reduce_sum3A_357, %dma_start3A_365] : memref<1000000x64xf32, #tpu.memory_space<hbm>> -> memref<1x64xf32, #tpu.memory_space<hbm>>
        %dma_start3A_367 = tpu.memref_squeeze %dma_start3A_366 : memref<1x64xf32, #tpu.memory_space<hbm>> -> memref<64xf32, #tpu.memory_space<hbm>>
        %dma_start3A_368 = arith.constant 0 : i32
        %dma_start3A_369 = tpu.memref_slice %arg7[%add3A_361, %dma_start3A_368] : memref<128x64xf32, #tpu.memory_space<vmem>> -> memref<1x64xf32, #tpu.memory_space<vmem>>
        %dma_start3A_370 = tpu.memref_squeeze %dma_start3A_369 : memref<1x64xf32, #tpu.memory_space<vmem>> -> memref<64xf32, #tpu.memory_space<vmem>>
        %dma_start3A_371 = arith.constant 0 : i32
        %dma_start3A_372 = tpu.memref_slice %arg3[%reduce_sum3A_357, %dma_start3A_371] : memref<1000000x64xf32, #tpu.memory_space<hbm>> -> memref<1x64xf32, #tpu.memory_space<hbm>>
        %dma_start3A_373 = tpu.memref_squeeze %dma_start3A_372 : memref<1x64xf32, #tpu.memory_space<hbm>> -> memref<64xf32, #tpu.memory_space<hbm>>
        tpu.enqueue_dma source(%dma_start3A_373 : memref<64xf32, #tpu.memory_space<hbm>>) target(%dma_start3A_370 : memref<64xf32, #tpu.memory_space<vmem>>) target_semaphore(%arg9 : memref<!tpu.dma_semaphore, #tpu.memory_space<semaphore_mem>>)
        %eq3A_374 = arith.constant 12 : i32
        %eq3A_375 = vector.broadcast %eq3A_374 : i32 to vector<16xi32>
        %eq3A_376 = arith.cmpi eq, %iota3A, %eq3A_375 : vector<16xi32>
        %jit3A_377 = arith.constant 0 : i32
        %broadcast_in_dim3A_378 = vector.broadcast %jit3A_377 : i32 to vector<16xi32>
        %select_n3A_379 = arith.select %eq3A_376, %get3A_66, %broadcast_in_dim3A_378 : vector<16xi1>, vector<16xi32>
        %reduce_sum3A_380 = arith.constant true
        %reduce_sum3A_381 = vector.broadcast %reduce_sum3A_380 : i1 to vector<16xi1>
        %reduce_sum3A_382 = tpu.scan <sum>, %select_n3A_379 masked %reduce_sum3A_381 : vector<16xi32>, vector<16xi1> -> vector<16xi32>
        %reduce_sum3A_383 = vector.extract %reduce_sum3A_382[15] : i32 from vector<16xi32>
        %mul3A_384 = arith.constant 16 : i32
        %mul3A_385 = arith.muli %add3A_60, %mul3A_384 : i32
        %add3A_386 = arith.constant 12 : i32
        %add3A_387 = arith.addi %mul3A_385, %add3A_386 : i32
        %dma_start3A_388 = arith.constant 0 : i32
        %dma_start3A_389 = tpu.memref_slice %arg7[%add3A_387, %dma_start3A_388] : memref<128x64xf32, #tpu.memory_space<vmem>> -> memref<1x64xf32, #tpu.memory_space<vmem>>
        %dma_start3A_390 = tpu.memref_squeeze %dma_start3A_389 : memref<1x64xf32, #tpu.memory_space<vmem>> -> memref<64xf32, #tpu.memory_space<vmem>>
        %dma_start3A_391 = arith.constant 0 : i32
        %dma_start3A_392 = tpu.memref_slice %arg3[%reduce_sum3A_383, %dma_start3A_391] : memref<1000000x64xf32, #tpu.memory_space<hbm>> -> memref<1x64xf32, #tpu.memory_space<hbm>>
        %dma_start3A_393 = tpu.memref_squeeze %dma_start3A_392 : memref<1x64xf32, #tpu.memory_space<hbm>> -> memref<64xf32, #tpu.memory_space<hbm>>
        %dma_start3A_394 = arith.constant 0 : i32
        %dma_start3A_395 = tpu.memref_slice %arg7[%add3A_387, %dma_start3A_394] : memref<128x64xf32, #tpu.memory_space<vmem>> -> memref<1x64xf32, #tpu.memory_space<vmem>>
        %dma_start3A_396 = tpu.memref_squeeze %dma_start3A_395 : memref<1x64xf32, #tpu.memory_space<vmem>> -> memref<64xf32, #tpu.memory_space<vmem>>
        %dma_start3A_397 = arith.constant 0 : i32
        %dma_start3A_398 = tpu.memref_slice %arg3[%reduce_sum3A_383, %dma_start3A_397] : memref<1000000x64xf32, #tpu.memory_space<hbm>> -> memref<1x64xf32, #tpu.memory_space<hbm>>
        %dma_start3A_399 = tpu.memref_squeeze %dma_start3A_398 : memref<1x64xf32, #tpu.memory_space<hbm>> -> memref<64xf32, #tpu.memory_space<hbm>>
        tpu.enqueue_dma source(%dma_start3A_399 : memref<64xf32, #tpu.memory_space<hbm>>) target(%dma_start3A_396 : memref<64xf32, #tpu.memory_space<vmem>>) target_semaphore(%arg9 : memref<!tpu.dma_semaphore, #tpu.memory_space<semaphore_mem>>)
        %eq3A_400 = arith.constant 13 : i32
        %eq3A_401 = vector.broadcast %eq3A_400 : i32 to vector<16xi32>
        %eq3A_402 = arith.cmpi eq, %iota3A, %eq3A_401 : vector<16xi32>
        %jit3A_403 = arith.constant 0 : i32
        %broadcast_in_dim3A_404 = vector.broadcast %jit3A_403 : i32 to vector<16xi32>
        %select_n3A_405 = arith.select %eq3A_402, %get3A_66, %broadcast_in_dim3A_404 : vector<16xi1>, vector<16xi32>
        %reduce_sum3A_406 = arith.constant true
        %reduce_sum3A_407 = vector.broadcast %reduce_sum3A_406 : i1 to vector<16xi1>
        %reduce_sum3A_408 = tpu.scan <sum>, %select_n3A_405 masked %reduce_sum3A_407 : vector<16xi32>, vector<16xi1> -> vector<16xi32>
        %reduce_sum3A_409 = vector.extract %reduce_sum3A_408[15] : i32 from vector<16xi32>
        %mul3A_410 = arith.constant 16 : i32
        %mul3A_411 = arith.muli %add3A_60, %mul3A_410 : i32
        %add3A_412 = arith.constant 13 : i32
        %add3A_413 = arith.addi %mul3A_411, %add3A_412 : i32
        %dma_start3A_414 = arith.constant 0 : i32
        %dma_start3A_415 = tpu.memref_slice %arg7[%add3A_413, %dma_start3A_414] : memref<128x64xf32, #tpu.memory_space<vmem>> -> memref<1x64xf32, #tpu.memory_space<vmem>>
        %dma_start3A_416 = tpu.memref_squeeze %dma_start3A_415 : memref<1x64xf32, #tpu.memory_space<vmem>> -> memref<64xf32, #tpu.memory_space<vmem>>
        %dma_start3A_417 = arith.constant 0 : i32
        %dma_start3A_418 = tpu.memref_slice %arg3[%reduce_sum3A_409, %dma_start3A_417] : memref<1000000x64xf32, #tpu.memory_space<hbm>> -> memref<1x64xf32, #tpu.memory_space<hbm>>
        %dma_start3A_419 = tpu.memref_squeeze %dma_start3A_418 : memref<1x64xf32, #tpu.memory_space<hbm>> -> memref<64xf32, #tpu.memory_space<hbm>>
        %dma_start3A_420 = arith.constant 0 : i32
        %dma_start3A_421 = tpu.memref_slice %arg7[%add3A_413, %dma_start3A_420] : memref<128x64xf32, #tpu.memory_space<vmem>> -> memref<1x64xf32, #tpu.memory_space<vmem>>
        %dma_start3A_422 = tpu.memref_squeeze %dma_start3A_421 : memref<1x64xf32, #tpu.memory_space<vmem>> -> memref<64xf32, #tpu.memory_space<vmem>>
        %dma_start3A_423 = arith.constant 0 : i32
        %dma_start3A_424 = tpu.memref_slice %arg3[%reduce_sum3A_409, %dma_start3A_423] : memref<1000000x64xf32, #tpu.memory_space<hbm>> -> memref<1x64xf32, #tpu.memory_space<hbm>>
        %dma_start3A_425 = tpu.memref_squeeze %dma_start3A_424 : memref<1x64xf32, #tpu.memory_space<hbm>> -> memref<64xf32, #tpu.memory_space<hbm>>
        tpu.enqueue_dma source(%dma_start3A_425 : memref<64xf32, #tpu.memory_space<hbm>>) target(%dma_start3A_422 : memref<64xf32, #tpu.memory_space<vmem>>) target_semaphore(%arg9 : memref<!tpu.dma_semaphore, #tpu.memory_space<semaphore_mem>>)
        %eq3A_426 = arith.constant 14 : i32
        %eq3A_427 = vector.broadcast %eq3A_426 : i32 to vector<16xi32>
        %eq3A_428 = arith.cmpi eq, %iota3A, %eq3A_427 : vector<16xi32>
        %jit3A_429 = arith.constant 0 : i32
        %broadcast_in_dim3A_430 = vector.broadcast %jit3A_429 : i32 to vector<16xi32>
        %select_n3A_431 = arith.select %eq3A_428, %get3A_66, %broadcast_in_dim3A_430 : vector<16xi1>, vector<16xi32>
        %reduce_sum3A_432 = arith.constant true
        %reduce_sum3A_433 = vector.broadcast %reduce_sum3A_432 : i1 to vector<16xi1>
        %reduce_sum3A_434 = tpu.scan <sum>, %select_n3A_431 masked %reduce_sum3A_433 : vector<16xi32>, vector<16xi1> -> vector<16xi32>
        %reduce_sum3A_435 = vector.extract %reduce_sum3A_434[15] : i32 from vector<16xi32>
        %mul3A_436 = arith.constant 16 : i32
        %mul3A_437 = arith.muli %add3A_60, %mul3A_436 : i32
        %add3A_438 = arith.constant 14 : i32
        %add3A_439 = arith.addi %mul3A_437, %add3A_438 : i32
        %dma_start3A_440 = arith.constant 0 : i32
        %dma_start3A_441 = tpu.memref_slice %arg7[%add3A_439, %dma_start3A_440] : memref<128x64xf32, #tpu.memory_space<vmem>> -> memref<1x64xf32, #tpu.memory_space<vmem>>
        %dma_start3A_442 = tpu.memref_squeeze %dma_start3A_441 : memref<1x64xf32, #tpu.memory_space<vmem>> -> memref<64xf32, #tpu.memory_space<vmem>>
        %dma_start3A_443 = arith.constant 0 : i32
        %dma_start3A_444 = tpu.memref_slice %arg3[%reduce_sum3A_435, %dma_start3A_443] : memref<1000000x64xf32, #tpu.memory_space<hbm>> -> memref<1x64xf32, #tpu.memory_space<hbm>>
        %dma_start3A_445 = tpu.memref_squeeze %dma_start3A_444 : memref<1x64xf32, #tpu.memory_space<hbm>> -> memref<64xf32, #tpu.memory_space<hbm>>
        %dma_start3A_446 = arith.constant 0 : i32
        %dma_start3A_447 = tpu.memref_slice %arg7[%add3A_439, %dma_start3A_446] : memref<128x64xf32, #tpu.memory_space<vmem>> -> memref<1x64xf32, #tpu.memory_space<vmem>>
        %dma_start3A_448 = tpu.memref_squeeze %dma_start3A_447 : memref<1x64xf32, #tpu.memory_space<vmem>> -> memref<64xf32, #tpu.memory_space<vmem>>
        %dma_start3A_449 = arith.constant 0 : i32
        %dma_start3A_450 = tpu.memref_slice %arg3[%reduce_sum3A_435, %dma_start3A_449] : memref<1000000x64xf32, #tpu.memory_space<hbm>> -> memref<1x64xf32, #tpu.memory_space<hbm>>
        %dma_start3A_451 = tpu.memref_squeeze %dma_start3A_450 : memref<1x64xf32, #tpu.memory_space<hbm>> -> memref<64xf32, #tpu.memory_space<hbm>>
        tpu.enqueue_dma source(%dma_start3A_451 : memref<64xf32, #tpu.memory_space<hbm>>) target(%dma_start3A_448 : memref<64xf32, #tpu.memory_space<vmem>>) target_semaphore(%arg9 : memref<!tpu.dma_semaphore, #tpu.memory_space<semaphore_mem>>)
        %eq3A_452 = arith.constant 15 : i32
        %eq3A_453 = vector.broadcast %eq3A_452 : i32 to vector<16xi32>
        %eq3A_454 = arith.cmpi eq, %iota3A, %eq3A_453 : vector<16xi32>
        %jit3A_455 = arith.constant 0 : i32
        %broadcast_in_dim3A_456 = vector.broadcast %jit3A_455 : i32 to vector<16xi32>
        %select_n3A_457 = arith.select %eq3A_454, %get3A_66, %broadcast_in_dim3A_456 : vector<16xi1>, vector<16xi32>
        %reduce_sum3A_458 = arith.constant true
        %reduce_sum3A_459 = vector.broadcast %reduce_sum3A_458 : i1 to vector<16xi1>
        %reduce_sum3A_460 = tpu.scan <sum>, %select_n3A_457 masked %reduce_sum3A_459 : vector<16xi32>, vector<16xi1> -> vector<16xi32>
        %reduce_sum3A_461 = vector.extract %reduce_sum3A_460[15] : i32 from vector<16xi32>
        %mul3A_462 = arith.constant 16 : i32
        %mul3A_463 = arith.muli %add3A_60, %mul3A_462 : i32
        %add3A_464 = arith.constant 15 : i32
        %add3A_465 = arith.addi %mul3A_463, %add3A_464 : i32
        %dma_start3A_466 = arith.constant 0 : i32
        %dma_start3A_467 = tpu.memref_slice %arg7[%add3A_465, %dma_start3A_466] : memref<128x64xf32, #tpu.memory_space<vmem>> -> memref<1x64xf32, #tpu.memory_space<vmem>>
        %dma_start3A_468 = tpu.memref_squeeze %dma_start3A_467 : memref<1x64xf32, #tpu.memory_space<vmem>> -> memref<64xf32, #tpu.memory_space<vmem>>
        %dma_start3A_469 = arith.constant 0 : i32
        %dma_start3A_470 = tpu.memref_slice %arg3[%reduce_sum3A_461, %dma_start3A_469] : memref<1000000x64xf32, #tpu.memory_space<hbm>> -> memref<1x64xf32, #tpu.memory_space<hbm>>
        %dma_start3A_471 = tpu.memref_squeeze %dma_start3A_470 : memref<1x64xf32, #tpu.memory_space<hbm>> -> memref<64xf32, #tpu.memory_space<hbm>>
        %dma_start3A_472 = arith.constant 0 : i32
        %dma_start3A_473 = tpu.memref_slice %arg7[%add3A_465, %dma_start3A_472] : memref<128x64xf32, #tpu.memory_space<vmem>> -> memref<1x64xf32, #tpu.memory_space<vmem>>
        %dma_start3A_474 = tpu.memref_squeeze %dma_start3A_473 : memref<1x64xf32, #tpu.memory_space<vmem>> -> memref<64xf32, #tpu.memory_space<vmem>>
        %dma_start3A_475 = arith.constant 0 : i32
        %dma_start3A_476 = tpu.memref_slice %arg3[%reduce_sum3A_461, %dma_start3A_475] : memref<1000000x64xf32, #tpu.memory_space<hbm>> -> memref<1x64xf32, #tpu.memory_space<hbm>>
        %dma_start3A_477 = tpu.memref_squeeze %dma_start3A_476 : memref<1x64xf32, #tpu.memory_space<hbm>> -> memref<64xf32, #tpu.memory_space<hbm>>
        tpu.enqueue_dma source(%dma_start3A_477 : memref<64xf32, #tpu.memory_space<hbm>>) target(%dma_start3A_474 : memref<64xf32, #tpu.memory_space<vmem>>) target_semaphore(%arg9 : memref<!tpu.dma_semaphore, #tpu.memory_space<semaphore_mem>>)
      }
      %scan3A_35 = arith.constant 8 : i32
      %dma_wait3A_36 = arith.constant 0 : i32
      %dma_wait3A_37 = arith.constant 0 : i32
      %dma_wait3A_38 = tpu.memref_slice %arg3[%dma_wait3A_36, %dma_wait3A_37] : memref<1000000x64xf32, #tpu.memory_space<hbm>> -> memref<128x64xf32, #tpu.memory_space<hbm>>
      %dma_wait3A_39 = arith.constant 0 : i32
      %dma_wait3A_40 = arith.constant 0 : i32
      %dma_wait3A_41 = tpu.memref_slice %arg3[%dma_wait3A_39, %dma_wait3A_40] : memref<1000000x64xf32, #tpu.memory_space<hbm>> -> memref<128x64xf32, #tpu.memory_space<hbm>>
      tpu.wait_dma2 semaphore(%arg9 : memref<!tpu.dma_semaphore, #tpu.memory_space<semaphore_mem>>) src(%dma_wait3A_41 : memref<128x64xf32, #tpu.memory_space<hbm>>) dst(%arg6 : memref<128x64xf32, #tpu.memory_space<vmem>>)
      %mul3A_42 = arith.constant 128 : i32
      %mul3A_43 = arith.muli %mul3A_23, %mul3A_42 : i32
      %add3A_44 = arith.addi %mul3A_2, %mul3A_43 : i32
      "tpu.region"() ({
        %run_scoped3A = tpu.sem_alloc : memref<!tpu.dma_semaphore, #tpu.memory_space<semaphore_mem>>
        %dma_start3A_56 = arith.constant 0 : i32
        %dma_start3A_57 = tpu.memref_slice %arg4[%add3A_44, %dma_start3A_56] : memref<65536x64xf32, #tpu.memory_space<hbm>> -> memref<128x64xf32, #tpu.memory_space<hbm>>
        %dma_start3A_58 = arith.constant 0 : i32
        %dma_start3A_59 = tpu.memref_slice %arg4[%add3A_44, %dma_start3A_58] : memref<65536x64xf32, #tpu.memory_space<hbm>> -> memref<128x64xf32, #tpu.memory_space<hbm>>
        tpu.enqueue_dma source(%arg6 : memref<128x64xf32, #tpu.memory_space<vmem>>) target(%dma_start3A_59 : memref<128x64xf32, #tpu.memory_space<hbm>>) target_semaphore(%run_scoped3A : memref<!tpu.dma_semaphore, #tpu.memory_space<semaphore_mem>>)
        %dma_wait3A_60 = arith.constant 0 : i32
        %dma_wait3A_61 = tpu.memref_slice %arg4[%add3A_44, %dma_wait3A_60] : memref<65536x64xf32, #tpu.memory_space<hbm>> -> memref<128x64xf32, #tpu.memory_space<hbm>>
        %dma_wait3A_62 = arith.constant 0 : i32
        %dma_wait3A_63 = tpu.memref_slice %arg4[%add3A_44, %dma_wait3A_62] : memref<65536x64xf32, #tpu.memory_space<hbm>> -> memref<128x64xf32, #tpu.memory_space<hbm>>
        tpu.wait_dma2 semaphore(%run_scoped3A : memref<!tpu.dma_semaphore, #tpu.memory_space<semaphore_mem>>) src(%arg6 : memref<128x64xf32, #tpu.memory_space<vmem>>) dst(%dma_wait3A_63 : memref<128x64xf32, #tpu.memory_space<hbm>>)
        tpu.yield
      }) : () -> ()
      %dma_wait3A_45 = arith.constant 0 : i32
      %dma_wait3A_46 = arith.constant 0 : i32
      %dma_wait3A_47 = tpu.memref_slice %arg3[%dma_wait3A_45, %dma_wait3A_46] : memref<1000000x64xf32, #tpu.memory_space<hbm>> -> memref<128x64xf32, #tpu.memory_space<hbm>>
      %dma_wait3A_48 = arith.constant 0 : i32
      %dma_wait3A_49 = arith.constant 0 : i32
      %dma_wait3A_50 = tpu.memref_slice %arg3[%dma_wait3A_48, %dma_wait3A_49] : memref<1000000x64xf32, #tpu.memory_space<hbm>> -> memref<128x64xf32, #tpu.memory_space<hbm>>
      tpu.wait_dma2 semaphore(%arg9 : memref<!tpu.dma_semaphore, #tpu.memory_space<semaphore_mem>>) src(%dma_wait3A_50 : memref<128x64xf32, #tpu.memory_space<hbm>>) dst(%arg7 : memref<128x64xf32, #tpu.memory_space<vmem>>)
      %add3A_51 = arith.constant 1 : i32
      %add3A_52 = arith.addi %mul3A_23, %add3A_51 : i32
      %mul3A_53 = arith.constant 128 : i32
      %mul3A_54 = arith.muli %add3A_52, %mul3A_53 : i32
      %add3A_55 = arith.addi %mul3A_2, %mul3A_54 : i32
      "tpu.region"() ({
        %run_scoped3A = tpu.sem_alloc : memref<!tpu.dma_semaphore, #tpu.memory_space<semaphore_mem>>
        %dma_start3A_56 = arith.constant 0 : i32
        %dma_start3A_57 = tpu.memref_slice %arg4[%add3A_55, %dma_start3A_56] : memref<65536x64xf32, #tpu.memory_space<hbm>> -> memref<128x64xf32, #tpu.memory_space<hbm>>
        %dma_start3A_58 = arith.constant 0 : i32
        %dma_start3A_59 = tpu.memref_slice %arg4[%add3A_55, %dma_start3A_58] : memref<65536x64xf32, #tpu.memory_space<hbm>> -> memref<128x64xf32, #tpu.memory_space<hbm>>
        tpu.enqueue_dma source(%arg7 : memref<128x64xf32, #tpu.memory_space<vmem>>) target(%dma_start3A_59 : memref<128x64xf32, #tpu.memory_space<hbm>>) target_semaphore(%run_scoped3A : memref<!tpu.dma_semaphore, #tpu.memory_space<semaphore_mem>>)
        %dma_wait3A_60 = arith.constant 0 : i32
        %dma_wait3A_61 = tpu.memref_slice %arg4[%add3A_55, %dma_wait3A_60] : memref<65536x64xf32, #tpu.memory_space<hbm>> -> memref<128x64xf32, #tpu.memory_space<hbm>>
        %dma_wait3A_62 = arith.constant 0 : i32
        %dma_wait3A_63 = tpu.memref_slice %arg4[%add3A_55, %dma_wait3A_62] : memref<65536x64xf32, #tpu.memory_space<hbm>> -> memref<128x64xf32, #tpu.memory_space<hbm>>
        tpu.wait_dma2 semaphore(%run_scoped3A : memref<!tpu.dma_semaphore, #tpu.memory_space<semaphore_mem>>) src(%arg7 : memref<128x64xf32, #tpu.memory_space<vmem>>) dst(%dma_wait3A_63 : memref<128x64xf32, #tpu.memory_space<hbm>>)
        tpu.yield
      }) : () -> ()
    }
    %scan3A_16 = arith.constant 8 : i32
    return
  }
}

module attributes {stable_mosaic.version = 14 : i64} {
  func.func @body(%arg0: i32, %arg1: memref<8x512x64xf32, #tpu.memory_space<vmem>>, %arg2: memref<512x64xf32, #tpu.memory_space<vmem>>, %arg3: memref<8x512x64xf32, #tpu.memory_space<vmem>>) attributes {dimension_semantics = [#tpu.dimension_semantics<arbitrary>], iteration_bounds = array<i64: 16>, scalar_prefetch = 0 : i64, scratch_operands = 0 : i64, tpu.core_type = #tpu.core_type<tc>, window_params = [{transform_indices = @transform_0, window_bounds = array<i64: 8, 512, 64>}, {pipeline_mode = #tpu.pipeline_mode<synchronous>, transform_indices = @transform_1, window_bounds = array<i64: 512, 64>}, {transform_indices = @transform_2, window_bounds = array<i64: 8, 512, 64>}]} {
    %get3A = arith.constant 0 : index
    %get3A_0 = arith.constant 0 : index
    %get3A_1 = arith.constant 0 : index
    %get3A_2 = vector.load %arg1[%get3A, %get3A_0, %get3A_1] : memref<8x512x64xf32, #tpu.memory_space<vmem>>, vector<8x512x64xf32>
    %get3A_3 = arith.constant 0 : index
    %get3A_4 = arith.constant 0 : index
    %get3A_5 = vector.load %arg2[%get3A_3, %get3A_4] : memref<512x64xf32, #tpu.memory_space<vmem>>, vector<512x64xf32>
    %broadcast_in_dim3A = vector.shape_cast %get3A_5 : vector<512x64xf32> to vector<1x512x64xf32>
    %add3A = vector.broadcast %broadcast_in_dim3A : vector<1x512x64xf32> to vector<8x512x64xf32>
    %add3A_6 = arith.addf %get3A_2, %add3A : vector<8x512x64xf32>
    %max3A = arith.constant 0.000000e+00 : f32
    %max3A_7 = vector.broadcast %max3A : f32 to vector<8x512x64xf32>
    %max3A_8 = arith.maximumf %add3A_6, %max3A_7 : vector<8x512x64xf32>
    %swap3A = arith.constant 0 : index
    %swap3A_9 = arith.constant 0 : index
    %swap3A_10 = arith.constant 0 : index
    %swap3A_11 = vector.load %arg3[%swap3A, %swap3A_9, %swap3A_10] : memref<8x512x64xf32, #tpu.memory_space<vmem>>, vector<8x512x64xf32>
    tpu.vector_store %arg3[%swap3A, %swap3A_9, %swap3A_10], %max3A_8 {strides = array<i32>} : memref<8x512x64xf32, #tpu.memory_space<vmem>>, vector<8x512x64xf32>,
    return
  }
  func.func @transform_0(%arg0: i32) -> (i32, i32, i32) {
    %c0_i32 = arith.constant 0 : i32
    %c0_i32_0 = arith.constant 0 : i32
    %c0_i32_1 = arith.constant 0 : i32
    return %arg0, %c0_i32, %c0_i32_0 : i32, i32, i32
  }
  func.func @transform_1(%arg0: i32) -> (i32, i32) {
    %c0_i32 = arith.constant 0 : i32
    %c0_i32_0 = arith.constant 0 : i32
    %c0_i32_1 = arith.constant 0 : i32
    return %c0_i32, %c0_i32_0 : i32, i32
  }
  func.func @transform_2(%arg0: i32) -> (i32, i32, i32) {
    %c0_i32 = arith.constant 0 : i32
    %c0_i32_0 = arith.constant 0 : i32
    %c0_i32_1 = arith.constant 0 : i32
    return %arg0, %c0_i32, %c0_i32_0 : i32, i32, i32
  }
}

</mosaic_0001>

<sc_bundles>
// kernel: kernel.4.cloned.1.call-start
scs
__scs_entry_jumppad:
0x0: {  	(pc) =	sbr.rel $0x88, $3  }
0x1: {  	(tag) =	ssettag $0x0;
	lr =	simm.s32 $0x1  }
0x2: {  	[smem:$0x3F9E] =	sst lr;
	_ =	strace $0xD0000000  }
0x3: {  	_ = 	snop  }
0x4: {  	_ = 	snop  }
0x5: {  	_ = 	snop  }
0x6: {  	_ = 	snop  }
0x7: {  	_ = 	snop  }
__scs_overlays_trampoline_lowered:
0x8: {  	[smem:$0x3FAD] =	sst s0  }
0x9: {  	[smem:$0x3FAE] =	sst s1  }
0xa: {  	[smem:$0x3FAF] =	sst s2  }
0xb: {  	[smem:$0x3FB0] =	sst s3  }
0xc: {  	[smem:$0x3FB1] =	sst s4  }
0xd: {  	[smem:$0x3FB2] =	sst s5  }
0xe: {  	[smem:$0x3FB3] =	sst s6  }
0xf: {  	[smem:$0x3FB4] =	sst s7  }
0x10: {  	[smem:$0x3FB5] =	sst s8  }
0x11: {  	[smem:$0x3FB6] =	sst s9;
	s0 =	simm.s32 @!p0 $0x0  }
0x12: {  	s1 =	sld [smem:$0x3F9C];
	s0 =	simm.s32 @p0 $0x1  }
0x13: {  	[smem:$0x3FB7] =	sst s0;
	s0 =	simm.s32 @!p1 $0x0  }
0x14: {  	s2 =	sld [smem:$0x3F9B];
	s0 =	simm.s32 @p1 $0x1  }
0x15: {  	[smem:$0x3FB8] =	sst s0;
	s0 =	simm.s32 @!p2 $0x0  }
0x16: {  	s3 =	sld [smem:$0x3FDB];
	s0 =	simm.s32 @p2 $0x1  }
0x17: {  	s4 =	simm.s32 $0x1BF5;
	[smem:$0x3FBA] =	sst s0  }
0x18: {  	s0 =	sld [smem:$0x3F9D];
	_ =	swait.ge [sflag:s4], $0x0  }
0x19: {  	s7 =	sld [smem:$0x3F9E]  }
0x1a: {  	s8 =	sadd.s32 $0xFFFFE003, lr  }
0x1b: {  	s9 =	sadd.s32 $0xFFFFFEF7, lr;
	s5 =	simm.s32 $0xFFFFFFFF;
	p2 =	slt.u32 s8, $0xFFFFF086  }
0x1c: {  	p1 =	slt.u32 s9, $0xF7A;
	s5 =	simm.s32 @!p2 $0x0  }
0x1d: {  	s5 =	simm.s32 @p1 $0x1;
	p0 =	seq.s32 s7, s2  }
0x1e: {  	s7 =	smul.u32 @!p0 $0xF7A, s2;
	p2 =	seq.s32 @!p0 s5, $0x0  }
0x1f: {  	s9 =	smul.u32 $0xF7A, s1;
	s8 =	simm.s32 @!p0 $0x1BF5;
	p2 =	por !p2, p0  }
0x20: {  	[sflag:s8] =	ssyncset.s32 @!p0 $0xFFFFF086;
	s6 =	sadd.s32 @!p0 s3, s7;
	s7 =	simm.s32 @!p0 $0x108  }
0x21: {  	s3 =	sadd.s32 s3, s9;
	s6 =	sadd.s32 @!p0 $0x88, s6;
	s7 =	simm.s32 @p2 $0x1082  }
0x22: {  	[simem:s7], [sflag:s8] =	dma.local @!p0 [hbm:s6], $0xF7A  }
0x23: {  	s9 =	sor.u32 $0xD0000000, s2;
	s6 =	simm.s32 $0x108;
	_ =	swait.ge @!p0 [sflag:s8], $0x0  }
0x24: {  	s3 =	sadd.s32 $0x88, s3;
	s6 =	simm.s32 @!p1 $0x1082;
	[sflag:s4] =	ssyncset.s32 $0xFFFFF086  }
0x25: {  	[simem:s6], [sflag:s4] =	dma.local [hbm:s3], $0xF7A  }
0x26: {  	[smem:$0x3F9E] =	sst s1;
	(tag) =	ssettag s2;
	_ =	strace s9  }
0x27: {  	s1 =	sld [smem:$0x3FAE]  }
0x28: {  	s2 =	sld [smem:$0x3FAF]  }
0x29: {  	s4 =	sld [smem:$0x3FB1]  }
0x2a: {  	p0 =	seq.s32 s5, $0x0;
	s5 =	sld [smem:$0x3FB2]  }
0x2b: {  	s6 =	sld [smem:$0x3FB3]  }
0x2c: {  	s7 =	sld [smem:$0x3FB4]  }
0x2d: {  	s3 =	simm.s32 $0x108;
	s8 =	sld [smem:$0x3FB5]  }
0x2e: {  	s3 =	simm.s32 @!p0 $0x1082;
	s9 =	sld [smem:$0x3FB6]  }
0x2f: {  	lr =	sadd.s32 s0, s3;
	s0 =	sld [smem:$0x3FAD]  }
0x30: {  	s3 =	sld [smem:$0x3FB0]  }
0x31: {  	[smem:$0x3FB9] =	sst s10  }
0x32: {  	s10 =	sld [smem:$0x3FB7];
	_ =	sdelay $0x3  }
0x33: {  	p0 =	seq.s32 s10, $0x1;
	s10 =	sld [smem:$0x3FB9];
	_ =	sdelay $0x3  }
0x34: {  	[smem:$0x3FB9] =	sst s10  }
0x35: {  	s10 =	sld [smem:$0x3FB8];
	_ =	sdelay $0x3  }
0x36: {  	p1 =	seq.s32 s10, $0x1;
	s10 =	sld [smem:$0x3FB9];
	_ =	sdelay $0x3  }
0x37: {  	[smem:$0x3FB9] =	sst s10  }
0x38: {  	s10 =	sld [smem:$0x3FBA]  }
0x39: {  	_ = 	snop;
	(pc) =	sbr.ind lr, $3  }
0x3a: {  	_ = 	snop  }
0x3b: {  	_ = 	snop  }
0x3c: {  	p2 =	seq.s32 s10, $0x1;
	s10 =	sld [smem:$0x3FB9]  }
0x3d: {  	_ =	shalt  }
0x3e: {  	_ =	shalt  }
0x3f: {  	_ =	shalt  }
0x40: {  	_ =	shalt  }
0x41: {  	_ =	shalt  }
0x42: {  	_ =	shalt  }
0x43: {  	_ =	shalt  }
0x44: {  	_ =	shalt  }
0x45: {  	_ =	shalt  }
0x46: {  	_ =	shalt  }
0x47: {  	_ =	shalt  }
0x48: {  	_ =	shalt  }
0x49: {  	_ =	shalt  }
0x4a: {  	_ =	shalt  }
0x4b: {  	_ =	shalt  }
0x4c: {  	_ =	shalt  }
0x4d: {  	_ =	shalt  }
0x4e: {  	_ =	shalt  }
0x4f: {  	_ =	shalt  }
0x50: {  	_ =	shalt  }
0x51: {  	_ =	shalt  }
0x52: {  	_ =	shalt  }
0x53: {  	_ =	shalt  }
0x54: {  	_ =	shalt  }
0x55: {  	_ =	shalt  }
0x56: {  	_ =	shalt  }
0x57: {  	_ =	shalt  }
0x58: {  	_ =	shalt  }
0x59: {  	_ =	shalt  }
0x5a: {  	_ =	shalt  }
0x5b: {  	_ =	shalt  }
0x5c: {  	_ =	shalt  }
0x5d: {  	_ =	shalt  }
0x5e: {  	_ =	shalt  }
0x5f: {  	_ =	shalt  }
0x60: {  	_ =	shalt  }
0x61: {  	_ =	shalt  }
0x62: {  	_ =	shalt  }
0x63: {  	_ =	shalt  }
0x64: {  	_ =	shalt  }
0x65: {  	_ =	shalt  }
0x66: {  	_ =	shalt  }
0x67: {  	_ =	shalt  }
0x68: {  	_ =	shalt  }
0x69: {  	_ =	shalt  }
0x6a: {  	_ =	shalt  }
0x6b: {  	_ =	shalt  }
0x6c: {  	_ =	shalt  }
0x6d: {  	_ =	shalt  }
0x6e: {  	_ =	shalt  }
0x6f: {  	_ =	shalt  }
0x70: {  	_ =	shalt  }
0x71: {  	_ =	shalt  }
0x72: {  	_ =	shalt  }
0x73: {  	_ =	shalt  }
0x74: {  	_ =	shalt  }
0x75: {  	_ =	shalt  }
0x76: {  	_ =	shalt  }
0x77: {  	_ =	shalt  }
0x78: {  	_ =	shalt  }
0x79: {  	_ =	shalt  }
0x7a: {  	_ =	shalt  }
0x7b: {  	_ =	shalt  }
0x7c: {  	_ =	shalt  }
0x7d: {  	_ =	shalt  }
0x7e: {  	_ =	shalt  }
0x7f: {  	_ =	shalt  }
0x80: {  	_ =	shalt  }
0x81: {  	_ =	shalt  }
0x82: {  	_ =	shalt  }
0x83: {  	_ =	shalt  }
0x84: {  	_ =	shalt  }
0x85: {  	_ =	shalt  }
0x86: {  	_ =	shalt  }
0x87: {  	_ =	shalt  }
.Lfunc_end0:
.L_simem_size_0:
called_computation_lowered:
.L_overlay_start_0:
0x88: {  	s2 =	sld [smem:$0x3FD9]  }
0x89: {  	s3 =	sld [smem:$0x3FFE];
	_ =	sdelay $0x1  }
0x8a: {  	s1 =	srdreg.scid  }
0x8b: {  	s0 =	sand.u32 $0x1, s1  }
0x8c: {  	s17 =	sshll.u32 s0, $0xA;
	s2 =	sadd.s32 s3, s2  }
0x8d: {  	s2 =	sadd.s32 s2, s17  }
0x8e: {  	[smem:$0x3FC5] =	sst s2  }
0x8f: {  	_ = 	snop  }
0x90: {  	s2 =	sld [smem:$0x3FD0];
	(tm) =	ssettm $0x1  }
0x91: {  	s18 =	sld [smem:$0x3FFB];
	_ =	sdelay $0x3  }
0x92: {  	_ =	strace s18  }
0x93: {  	s3 =	sld [smem:$0x3FFC];
	_ =	sdelay $0x3  }
0x94: {  	_ =	strace s3  }
0x95: {  	s3 =	sld [smem:$0x3FFD];
	_ =	sdelay $0x3  }
0x96: {  	_ =	strace s3  }
0x97: {  	_ =	strace $0x8FFFFFFF  }
0x98: {  	s19 =	sld [smem:$0x3FDB];
	_ =	sdelay $0x1  }
0x99: {  	s4 =	simm.s32 $_scs_section_size  }
0x9a: {  	s5 =	simm.s32 $_size__tile_overlayer_lowered;
	s6 =	simm.s32 $_tile_overlayer_lowered  }
0x9b: {  	s22 =	simm.s32 $0x1BFF;
	s21 =	sshll.u32 s6, $0x1;
	s3 =	sadd.s32 s4, s19  }
0x9c: {  	s7 =	simm.s32 $0x0;
	s20 =	sshll.u32 s5, $0x1;
	s5 =	sadd.s32 s21, s3  }
0x9d: {  	[timem:s7], [sflag:s22] =	dma.local [hbm:s5], s20  }
0x9e: {  	_ =	swait.ge [sflag:s22], s20  }
0x9f: {  	s4 =	ssub.s32 $0x0, s20;
	[sflag:s22] =	ssyncset.done $0x0  }
0xa0: {  	[sflag:s22] =	ssyncadd.s32 s4;
	_ =	sdelay $0x1  }
0xa1: {  	s23 =	simm.s32 $0x1B8B  }
0xa2: {  	_ =	swait.ge [sflag:s23], $0x1  }
0xa3: {  	[sflag:s23] =	ssyncset.done $0x0  }
0xa4: {  	s25 =	simm.s32 $0x1B8E;
	s24 =	sld [smem:$0x3FFE];
	[sflag:s23] =	ssyncadd.s32 $0xFFFFFFFF  }
0xa5: {  	s26 =	simm.s32 $execute0_lowered;
	[smem:$0x3FD2] =	sst s25  }
0xa6: {  	s5 =	sshll.u32 s26, $0x1;
	_ =	strace $0x80000046;
	[dreg:$0x1] =	wrdreg $0xFFFFFFFF  }
0xa7: {  	s28 =	simm.s32 $_size_execute0_lowered;
	s3 =	sadd.s32 s3, s5;
	[dreg:$0x0] =	wrdreg $0x0  }
0xa8: {  	s5 =	sshll.u32 s28, $0x1;
	[dreg:$0x2] =	wrdreg s3  }
0xa9: {  	[dreg:$0x3] =	wrdreg s5  }
0xaa: {  	[dreg:$0x4] =	wrdreg $0xC0  }
0xab: {  	_ =	task [dreg:s7], $0x5FFFF  }
0xac: {  	[dreg:$0x1] =	wrdreg $0xFFFFFFFF  }
0xad: {  	[dreg:$0x0] =	wrdreg $0x60  }
0xae: {  	[dreg:$0x2] =	wrdreg s2  }
0xaf: {  	[dreg:$0x3] =	wrdreg s24  }
0xb0: {  	[dreg:$0x4] =	wrdreg $0x9  }
0xb1: {  	_ =	task.clear_ibuf [dreg:s7], $0x5FFFF;
	_ =	strace $0x90000046  }
0xb2: {  	s29 =	simm.s32 $0x9;
	_ =	strace $0x80000048  }
0xb3: {  	_ =	swait.ge [sflag:s29], $0x1  }
0xb4: {  	[sflag:s29] =	ssyncadd.s32 $0xFFFFFFFF  }
0xb5: {  	_ =	strace $0x90000048  }
0xb6: {  	_ =	sfence  }
0xb7: {  	s30 =	sld [smem:$0x0];
	_ =	sdelay $0x2  }
0xb8: {  	s31 =	sshll.u32 s1, $0xD;
	s1 =	sshrl.u32 s1, $0x2  }
0xb9: {  	s3 =	sand.u32 $0x4000, s31;
	s1 =	sadd.s32 s1, s30  }
0xba: {  	s0 =	sor.u32 s3, s0;
	s1 =	sshll.u32 s1, $0x11  }
0xbb: {  	s0 =	sor.u32 s1, s0  }
0xbc: {  	s0 =	sadd.s32 $0x8F2B, s0  }
0xbd: {  	[sflag:s0] =	ssyncadd.remote.s32 $0x1  }
0xbe: {  	_ =	sfence.sel $0xFFFF  }
0xbf: {  	[dreg:$0x0] =	wrdreg $0xFFFFFFFF;
	(pc) =	sbr.abs _section_cstart, $3  }
0xc0: {  	[dreg:$0x1] =	wrdreg $0xFFFFFFFF  }
0xc1: {  	_ =	task.clear_ibuf [dreg:s7], $0x2FFFF;
	_ =	strace $0x9FFFFFFF  }
0xc2: {  	(tm) =	ssettm $0x7FFFFFFF  }
0xc3: {  	_ =	shalt  }
tec
execute0_lowered:
.L_overlay_start_1:
0x0: {  	(tag) =	ssettag $0x1  }
0x1: {  	s0 =	rddreg [dreg:$0x0]  }
0x2: {  	s1 =	rddreg [dreg:$0x1];
	s2 =	simm.s32 $0x0;
	s3 =	srdreg.scid  }
0x3: {  	s7 =	stileid.u32;
	[smem:$0x7FF] =	sst s2  }
0x4: {  	s4 =	sand.u32 $0x1, s3;
	s29 =	sshll.u32 s7, $0x1;
	s3 =	sadd.s32 $0x800, s1  }
0x5: {  	s7 =	sshll.u32 s7, $0x9;
	_ =	strace $0x80000047;
	s5 =	sor.u32 s4, s29  }
0x6: {  	vm0 =	vmmov $0x1;
	s7 =	sand.u32 $0x1800, s7;
	s6 =	sshll.u32 s5, $0xF;
	s5 =	sshll.u32 s5, $0x4  }
0x7: {  	vm1 =	vcmask $0x308;
	vm2 =	vcmask $0x70C;
	vm3 =	vcmask $0xB10;
	s4 =	ssub.s32 $0x2, s4;
	s0 =	sadd.s32 s0, s7;
	s5 =	sand.u32 $0x70, s5  }
0x8: {  	vm4 =	vcmask $0xF14;
	vm5 =	vcmask $0x1318;
	vm6 =	vcmask $0x171C;
	s8 =	sshrl.u32 s4, $0x1;
	s1 =	sadd.s32 s6, s1;
	s0 =	sadd.s32 s5, s0  }
0x9: {  	vm7 =	vcmask $0x1B20;
	vm8 =	vcmask $0x1F24;
	vm9 =	vcmask $0x2328;
	s4 =	ssub.s32 s4, s8;
	s30 =	sadd.s32 $0xF42C00, s1;
	[dreg:$0x3] =	wrdreg s0  }
0xa: {  	vm10 =	vcmask $0x272C;
	vm11 =	vcmask $0x2B30;
	vm12 =	vcmask $0x2F34;
	s9 =	simm.s32 $0x2;
	s31 =	smax.u32 s4, $0x1;
	[dreg:$0x4] =	wrdreg s30  }
0xb: {  	vm13 =	vcmask $0x3338;
	vm14 =	vcmask $0x373C;
	vm15 =	vmmov $0x7fff;
	s11 =	simm.s32 $0x3;
	s1 =	simm.s32 $0x0;
	[dreg:$0x5] =	wrdreg s31  }
.LBB2_1:
0xc: {  	[dreg:$0x6] =	wrdreg s1;
	s14 =	simm.s32 $0x80  }
0xd: {  	s0 =	rddreg [dreg:$0x3];
	s30 =	simm.s32 $0x400;
	s31 =	simm.s32 $0x1  }
0xe: {  	[tilespmem:s2], [sflag:$0x1] =	stream.strided.gather [hbm4b:s0+s14], $0x800, s30, s14, $0x38;
	[tilespmem:$0x8800] =	vst v63  }
0xf: {  	_ =	swait.ge [sflag:s31], $0x800  }
0x10: {  	[sflag:s31] =	ssyncset.done $0x0  }
0x11: {  	s15 =	simm.s32 $0x0;
	s16 =	simm.s32 $0x0;
	[sflag:s31] =	ssyncadd.s32 $0xFFFFF800  }
.LBB2_2:
0x12: {  	v0 =	vld [tilespmem:s15+$0x0];
	_ =	sdelay $0x4  }
0x13: {  	v1 =	vnsel vm0, $0x0, v0  }
0x14: {  	v2 =	vsel vm2, $0x0, v0;
	(xrf0) =	vadd.scan.msk.s32 $0xffff, v1  }
0x15: {  	v40 =	vsel vm3, $0x0, v0;
	(xrf0) =	vadd.scan.msk.s32 $0xffff, v2  }
0x16: {  	v41 =	vsel vm1, $0x0, v0;
	(xrf0) =	vadd.scan.msk.s32 $0xffff, v40  }
0x17: {  	v42 =	vsel vm8, $0x0, v0;
	(xrf0) =	vadd.scan.msk.s32 $0xffff, v41  }
0x18: {  	(xrf0) =	vadd.scan.msk.s32 $0xffff, v42  }
0x19: {  	v43 =	vsel vm9, $0x0, v0  }
0x1a: {  	v44 =	vsel vm5, $0x0, v0;
	(xrf0) =	vadd.scan.msk.s32 $0xffff, v43;
	v3, _, _ =	vpop (xrf0)  }
0x1b: {  	v45 =	vsel vm4, $0x0, v0;
	(xrf0) =	vadd.scan.msk.s32 $0xffff, v44;
	(v2sf) =	vpush v3, $0xF;
	v46, _, _ =	vpop (xrf0)  }
0x1c: {  	(xrf0) =	vadd.scan.msk.s32 $0xffff, v45;
	(v2sf) =	vpush v46, $0xF;
	v47, _, _ =	vpop (xrf0)  }
0x1d: {  	v48, _, _ =	vpop (xrf0);
	(v2sf) =	vpush v47, $0xF  }
0x1e: {  	v49 =	vsel vm10, $0x0, v0;
	(v2sf) =	vpush v48, $0xF;
	v50, _, _ =	vpop (xrf0)  }
0x1f: {  	v51 =	vsel vm11, $0x0, v0;
	(xrf0) =	vadd.scan.msk.s32 $0xffff, v49;
	(v2sf) =	vpush v50, $0xF  }
0x20: {  	v53 =	vsel vm12, $0x0, v0;
	(xrf0) =	vadd.scan.msk.s32 $0xffff, v51;
	v52, _, _ =	vpop (xrf0)  }
0x21: {  	v4 =	vsel vm13, $0x0, v0;
	v54, _, _ =	vpop (xrf0);
	(xrf0) =	vadd.scan.msk.s32 $0xffff, v53  }
0x22: {  	v5 =	vsel vm14, $0x0, v0;
	v55, _, _ =	vpop (xrf0);
	(xrf0) =	vadd.scan.msk.s32 $0xffff, v4  }
0x23: {  	v56 =	vsel vm6, $0x0, v0;
	(v2sf) =	vpush v55, $0xF;
	(xrf0) =	vadd.scan.msk.s32 $0xffff, v5  }
0x24: {  	(xrf0) =	vadd.scan.msk.s32 $0xffff, v56  }
0x25: {  	v57 =	vsel vm7, $0x0, v0;
	v58, _, _ =	vpop (xrf0);
	(v2sf) =	vpush v54, $0xF  }
0x26: {  	v59, _, _ =	vpop (xrf0);
	(xrf0) =	vadd.scan.msk.s32 $0xffff, v57  }
0x27: {  	s17 =	simm.s32 $0x2000;
	s18 =	simm.s32 $0x0;
	s0 =	simm.s32 $0x900;
	(v2sf) =	vpush v58, $0xF;
	v60, _, _ =	vpop (xrf0)  }
0x28: {  	s1 =	simm.s32 $0xA00;
	s22 =	simm.s32 $0xB80;
	s4 =	simm.s32 $0x800;
	v61, _, _ =	vpop (xrf0)  }
0x29: {  	s7 =	simm.s32 $0x880;
	s24 =	simm.s32 $0xB00;
	s29 =	simm.s32 $0xA80;
	(v2sf) =	vpush v52, $0xF;
	v5, _, _ =	vpop (xrf0)  }
0x2a: {  	s21 =	simm.s32 $0xE00;
	s20 =	simm.s32 $0xE80;
	v62, _, _ =	vpop (xrf0);
	s26 =	spop (v2sf)  }
0x2b: {  	s19 =	sadd.s32 $0x10, s15;
	s25 =	simm.s32 $0xD00;
	(v2sf) =	vpush v62, $0xF;
	s30 =	spop (v2sf)  }
0x2c: {  	v63, _, _ =	vpop (xrf0);
	s28 =	sshll.u32 s26, $0x4;
	s30 =	sshll.u32 s30, $0x4;
	s31 =	spop (v2sf)  }
0x2d: {  	(v2sf) =	vpush v63, $0xF;
	s28 =	sand.u32 $0x1FFFFFF0, s28;
	s6 =	sand.u32 $0x1FFFFFF0, s30;
	s30 =	spop (v2sf)  }
0x2e: {  	s28 =	sadd.s32 s3, s28;
	s31 =	sshll.u32 s31, $0x4;
	s8 =	spop (v2sf)  }
0x2f: {  	[tilespmem:s4], [sflag:$0x2] =	stream.linear.gather [hbm4b:s28+s2], $0x80, $0x38;
	[tilespmem:$0x8800] =	vst v63  }
0x30: {  	s30 =	sshll.u32 s30, $0x4;
	s31 =	sand.u32 $0x1FFFFFF0, s31;
	(v2sf) =	vpush v59, $0xF;
	s8 =	sshll.u32 s8, $0x4  }
0x31: {  	s6 =	sadd.s32 s3, s6;
	s13 =	sand.u32 $0x1FFFFFF0, s30;
	s30 =	sand.u32 $0x1FFFFFF0, s8  }
0x32: {  	s8 =	simm.s32 $0x980;
	s13 =	sadd.s32 s3, s13;
	s12 =	spop (v2sf)  }
0x33: {  	v0 =	vsel vm15, $0x0, v0;
	[tilespmem:s7], [sflag:$0x2] =	stream.linear.gather [hbm4b:s13+s2], $0x80, $0x38;
	[tilespmem:$0x8800] =	vst v63  }
0x34: {  	(xrf0) =	vadd.scan.msk.s32 $0xffff, v0;
	(v2sf) =	vpush v60, $0xF;
	s13 =	sadd.s32 s3, s31;
	s4 =	sshll.u32 s12, $0x4;
	s5 =	spop (v2sf)  }
0x35: {  	[tilespmem:s0], [sflag:$0x2] =	stream.linear.gather [hbm4b:s6+s2], $0x80, $0x38;
	[tilespmem:$0x8800] =	vst v63  }
0x36: {  	(v2sf) =	vpush v61, $0xF;
	s4 =	sand.u32 $0x1FFFFFF0, s4;
	s10 =	sshll.u32 s5, $0x4;
	s12 =	spop (v2sf)  }
0x37: {  	[tilespmem:s8], [sflag:$0x2] =	stream.linear.gather [hbm4b:s13+s2], $0x80, $0x38;
	[tilespmem:$0x8800] =	vst v63  }
0x38: {  	s0 =	sand.u32 $0x1FFFFFF0, s10;
	s5 =	spop (v2sf);
	s4 =	sadd.s32 s3, s4  }
0x39: {  	[tilespmem:s1], [sflag:$0x2] =	stream.linear.gather [hbm4b:s4+s2], $0x80, $0x38;
	[tilespmem:$0x8800] =	vst v63  }
0x3a: {  	s23 =	simm.s32 $0xD80;
	s0 =	sadd.s32 s3, s0;
	s10 =	spop (v2sf);
	(v2sf) =	vpush v5, $0xF  }
0x3b: {  	v0, _, _ =	vpop (xrf0);
	[tilespmem:s29], [sflag:$0x2] =	stream.linear.gather [hbm4b:s0+s2], $0x80, $0x38;
	[tilespmem:$0x8800] =	vst v63  }
0x3c: {  	s26 =	simm.s32 $0xC80;
	s28 =	simm.s32 $0xC00;
	s13 =	spop (v2sf);
	(v2sf) =	vpush v0, $0xF  }
0x3d: {  	s8 =	sshll.u32 s12, $0x4;
	s7 =	sshll.u32 s5, $0x4;
	s12 =	sshll.u32 s10, $0x4  }
0x3e: {  	s1 =	sand.u32 $0x1FFFFFF0, s8;
	s29 =	sand.u32 $0x1FFFFFF0, s12;
	s31 =	sshll.u32 s13, $0x4  }
.LBB2_3:
0x3f: {  	s0 =	sadd.s32 s3, s29;
	s4 =	sand.u32 $0x1FFFFFF0, s31;
	s6 =	spop (v2sf)  }
0x40: {  	[tilespmem:s24], [sflag:$0x2] =	stream.linear.gather [hbm4b:s0+s2], $0x80, $0x38;
	[tilespmem:$0x8800] =	vst v63  }
0x41: {  	s0 =	sadd.s32 s3, s4;
	s4 =	sand.u32 $0x1FFFFFF0, s7;
	s6 =	sshll.u32 s6, $0x4  }
0x42: {  	[tilespmem:s22], [sflag:$0x2] =	stream.linear.gather [hbm4b:s0+s2], $0x80, $0x38;
	[tilespmem:$0x8800] =	vst v63  }
0x43: {  	s6 =	sand.u32 $0x1FFFFFF0, s6;
	s0 =	sadd.s32 s3, s30;
	s7 =	spop (v2sf)  }
0x44: {  	[tilespmem:s28], [sflag:$0x2] =	stream.linear.gather [hbm4b:s0+s2], $0x80, $0x38;
	[tilespmem:$0x8800] =	vst v63  }
0x45: {  	s0 =	sadd.s32 s3, s4;
	s4 =	sshll.u32 s7, $0x4;
	s7 =	spop (v2sf)  }
0x46: {  	[tilespmem:s26], [sflag:$0x2] =	stream.linear.gather [hbm4b:s0+s2], $0x80, $0x38;
	[tilespmem:$0x8800] =	vst v63  }
0x47: {  	s0 =	sadd.s32 s3, s1;
	s1 =	sand.u32 $0x1FFFFFF0, s4;
	s4 =	sshll.u32 s7, $0x4  }
0x48: {  	[tilespmem:s25], [sflag:$0x2] =	stream.linear.gather [hbm4b:s0+s2], $0x80, $0x38;
	[tilespmem:$0x8800] =	vst v63  }
0x49: {  	s4 =	sand.u32 $0x1FFFFFF0, s4;
	s0 =	sadd.s32 s3, s6;
	s6 =	spop (v2sf)  }
0x4a: {  	[tilespmem:s23], [sflag:$0x2] =	stream.linear.gather [hbm4b:s0+s2], $0x80, $0x38;
	[tilespmem:$0x8800] =	vst v63  }
0x4b: {  	s0 =	sadd.s32 s3, s1;
	s1 =	sshll.u32 s6, $0x4;
	s6 =	spop (v2sf)  }
0x4c: {  	[tilespmem:s21], [sflag:$0x2] =	stream.linear.gather [hbm4b:s0+s2], $0x80, $0x38;
	[tilespmem:$0x8800] =	vst v63  }
0x4d: {  	s1 =	sand.u32 $0x1FFFFFF0, s1;
	s0 =	sadd.s32 s3, s4;
	s4 =	sshll.u32 s6, $0x4  }
0x4e: {  	[tilespmem:s20], [sflag:$0x2] =	stream.linear.gather [hbm4b:s0+s2], $0x80, $0x38;
	[tilespmem:$0x8800] =	vst v63  }
0x4f: {  	s1 =	sadd.s32 s3, s1;
	s4 =	sand.u32 $0x1FFFFFF0, s4;
	s0 =	sadd.s32 $0xF00, s18  }
0x50: {  	[tilespmem:s0], [sflag:$0x2] =	stream.linear.gather [hbm4b:s1+s2], $0x80, $0x38;
	[tilespmem:$0x8800] =	vst v63  }
0x51: {  	p0 =	sne.s32 s17, $0xE000;
	s0 =	sadd.s32 $0xF80, s18;
	s1 =	sadd.s32 s3, s4  }
0x52: {  	[tilespmem:s0], [sflag:$0x2] =	stream.linear.gather [hbm4b:s1+s2], $0x80, $0x38;
	[tilespmem:$0x8800] =	vst v63  }
0x53: {  	s0 =	smov.u32 s17;
	s17 =	sadd.s32 $0x2000, s17;
	v0 =	vld [tilespmem:s19+$0x0];
	_ =	sdelay $0x4  }
0x54: {  	v1 =	vnsel vm0, $0x0, v0;
	v2 =	vsel vm3, $0x0, v0;
	v3 =	vsel vm14, $0x0, v0  }
0x55: {  	v4 =	vsel vm2, $0x0, v0;
	v5 =	vsel vm15, $0x0, v0;
	(xrf0) =	vadd.scan.msk.s32 $0xffff, v1  }
0x56: {  	v6 =	vsel vm6, $0x0, v0;
	v1 =	vsel vm1, $0x0, v0;
	(xrf0) =	vadd.scan.msk.s32 $0xffff, v4  }
0x57: {  	v4 =	vsel vm7, $0x0, v0;
	(xrf0) =	vadd.scan.msk.s32 $0xffff, v2  }
0x58: {  	v2 =	vsel vm8, $0x0, v0;
	(xrf0) =	vadd.scan.msk.s32 $0xffff, v1  }
0x59: {  	v1 =	vsel vm9, $0x0, v0;
	(xrf0) =	vadd.scan.msk.s32 $0xffff, v2  }
0x5a: {  	v2 =	vsel vm5, $0x0, v0;
	(xrf0) =	vadd.scan.msk.s32 $0xffff, v1  }
0x5b: {  	v1 =	vsel vm4, $0x0, v0;
	v7, _, _ =	vpop (xrf0);
	(xrf0) =	vadd.scan.msk.s32 $0xffff, v2  }
0x5c: {  	v2 =	vsel vm10, $0x0, v0;
	(v2sf) =	vpush v7, $0xF;
	v7, _, _ =	vpop (xrf0);
	(xrf0) =	vadd.scan.msk.s32 $0xffff, v1  }
0x5d: {  	v9 =	vsel vm11, $0x0, v0;
	(v2sf) =	vpush v7, $0xF;
	v7, _, _ =	vpop (xrf0);
	(xrf0) =	vadd.scan.msk.s32 $0xffff, v2  }
0x5e: {  	s18 =	sshra.s32 s0, $0x2;
	v2 =	vsel vm12, $0x0, v0;
	v8, _, _ =	vpop (xrf0);
	(v2sf) =	vpush v7, $0xF;
	(xrf0) =	vadd.scan.msk.s32 $0xffff, v9  }
0x5f: {  	s31 =	sadd.s32 $0x900, s18;
	v7 =	vsel vm13, $0x0, v0;
	(v2sf) =	vpush v8, $0xF;
	v1, _, _ =	vpop (xrf0);
	(xrf0) =	vadd.scan.msk.s32 $0xffff, v2  }
0x60: {  	s29 =	sadd.s32 $0xA00, s18;
	s22 =	sadd.s32 $0xB80, s18;
	(v2sf) =	vpush v1, $0xF;
	v1, _, _ =	vpop (xrf0);
	(xrf0) =	vadd.scan.msk.s32 $0xffff, v7  }
0x61: {  	s4 =	sadd.s32 $0x800, s18;
	s1 =	sadd.s32 $0x880, s18;
	v0, _, _ =	vpop (xrf0);
	(xrf0) =	vadd.scan.msk.s32 $0xffff, v3  }
0x62: {  	s24 =	sadd.s32 $0xB00, s18;
	v2, _, _ =	vpop (xrf0);
	(xrf0) =	vadd.scan.msk.s32 $0xffff, v6  }
0x63: {  	s0 =	sadd.s32 $0xA80, s18;
	(v2sf) =	vpush v2, $0xF;
	(xrf0) =	vadd.scan.msk.s32 $0xffff, v4;
	v2, _, _ =	vpop (xrf0)  }
0x64: {  	(v2sf) =	vpush v0, $0xF;
	v0, _, _ =	vpop (xrf0);
	(xrf0) =	vadd.scan.msk.s32 $0xffff, v5  }
0x65: {  	(v2sf) =	vpush v2, $0xF;
	v2, _, _ =	vpop (xrf0)  }
0x66: {  	v3, _, _ =	vpop (xrf0)  }
0x67: {  	v4, _, _ =	vpop (xrf0)  }
0x68: {  	v5, _, _ =	vpop (xrf0);
	(v2sf) =	vpush v1, $0xF  }
0x69: {  	v1, _, _ =	vpop (xrf0)  }
0x6a: {  	s19 =	sadd.s32 $0x10, s19;
	s21 =	sadd.s32 $0xE00, s18;
	s20 =	sadd.s32 $0xE80, s18;
	(v2sf) =	vpush v5, $0xF;
	v5, _, _ =	vpop (xrf0)  }
0x6b: {  	s25 =	sadd.s32 $0xD00, s18;
	s23 =	sadd.s32 $0xD80, s18;
	s6 =	spop (v2sf)  }
0x6c: {  	s26 =	sadd.s32 $0xC80, s18;
	s6 =	sshll.u32 s6, $0x4;
	s7 =	spop (v2sf);
	(v2sf) =	vpush v1, $0xF  }
0x6d: {  	s6 =	sand.u32 $0x1FFFFFF0, s6;
	s7 =	sshll.u32 s7, $0x4;
	s8 =	spop (v2sf)  }
0x6e: {  	s6 =	sadd.s32 s3, s6;
	s7 =	sand.u32 $0x1FFFFFF0, s7;
	s13 =	spop (v2sf)  }
0x6f: {  	s8 =	sshll.u32 s8, $0x4;
	s13 =	sshll.u32 s13, $0x4;
	s28 =	spop (v2sf)  }
0x70: {  	s8 =	sand.u32 $0x1FFFFFF0, s8;
	s13 =	sand.u32 $0x1FFFFFF0, s13;
	s30 =	sshll.u32 s28, $0x4;
	(v2sf) =	vpush v0, $0xF  }
0x71: {  	[tilespmem:s4], [sflag:$0x2] =	stream.linear.gather [hbm4b:s6+s2], $0x80, $0x38;
	[tilespmem:$0x8800] =	vst v63  }
0x72: {  	s28 =	sadd.s32 $0xC00, s18;
	s30 =	sand.u32 $0x1FFFFFF0, s30;
	s4 =	spop (v2sf)  }
0x73: {  	s6 =	sadd.s32 $0x980, s18;
	s4 =	sshll.u32 s4, $0x4;
	s10 =	spop (v2sf)  }
0x74: {  	s4 =	sand.u32 $0x1FFFFFF0, s4;
	s10 =	sshll.u32 s10, $0x4;
	s12 =	spop (v2sf);
	(v2sf) =	vpush v2, $0xF  }
0x75: {  	s13 =	sadd.s32 s3, s13;
	s10 =	sand.u32 $0x1FFFFFF0, s10;
	s12 =	sshll.u32 s12, $0x4  }
0x76: {  	[tilespmem:s1], [sflag:$0x2] =	stream.linear.gather [hbm4b:s13+s2], $0x80, $0x38;
	(v2sf) =	vpush v3, $0xF;
	[tilespmem:$0x8800] =	vst v63  }
0x77: {  	s7 =	sadd.s32 s3, s7;
	s1 =	sand.u32 $0x1FFFFFF0, s12;
	s12 =	spop (v2sf)  }
0x78: {  	[tilespmem:s31], [sflag:$0x2] =	stream.linear.gather [hbm4b:s7+s2], $0x80, $0x38;
	[tilespmem:$0x8800] =	vst v63  }
0x79: {  	s8 =	sadd.s32 s3, s8;
	s7 =	sshll.u32 s12, $0x4;
	s12 =	spop (v2sf)  }
0x7a: {  	[tilespmem:s6], [sflag:$0x2] =	stream.linear.gather [hbm4b:s8+s2], $0x80, $0x38;
	[tilespmem:$0x8800] =	vst v63  }
.Ltmp0:
0x7b: {  	(v2sf) =	vpush v4, $0xF;
	(pc) =	sbr.rel @p0 .LBB2_3-.Ltmp0, $4  }
0x7c: {  	s4 =	sadd.s32 s3, s4;
	s6 =	sshll.u32 s12, $0x4;
	s8 =	spop (v2sf)  }
0x7d: {  	[tilespmem:s29], [sflag:$0x2] =	stream.linear.gather [hbm4b:s4+s2], $0x80, $0x38;
	(v2sf) =	vpush v5, $0xF;
	[tilespmem:$0x8800] =	vst v63  }
0x7e: {  	s4 =	sadd.s32 s3, s10;
	s29 =	sand.u32 $0x1FFFFFF0, s6;
	s31 =	sshll.u32 s8, $0x4  }
0x7f: {  	[tilespmem:s0], [sflag:$0x2] =	stream.linear.gather [hbm4b:s4+s2], $0x80, $0x38;
	[tilespmem:$0x8800] =	vst v63  }
0x80: {  	s0 =	sadd.s32 s3, s29;
	s4 =	sand.u32 $0x1FFFFFF0, s31;
	s6 =	spop (v2sf)  }
0x81: {  	[tilespmem:s24], [sflag:$0x2] =	stream.linear.gather [hbm4b:s0+s2], $0x80, $0x38;
	[tilespmem:$0x8800] =	vst v63  }
0x82: {  	s12 =	sand.u32 $0x1FFFFFF0, s7;
	s13 =	sadd.s32 s3, s30;
	s10 =	sadd.s32 s3, s4  }
0x83: {  	[tilespmem:s22], [sflag:$0x2] =	stream.linear.gather [hbm4b:s10+s2], $0x80, $0x38;
	[tilespmem:$0x8800] =	vst v63  }
0x84: {  	s1 =	sadd.s32 s3, s1;
	s6 =	sshll.u32 s6, $0x4;
	s17 =	spop (v2sf)  }
0x85: {  	[tilespmem:s28], [sflag:$0x2] =	stream.linear.gather [hbm4b:s13+s2], $0x80, $0x38;
	[tilespmem:$0x8800] =	vst v63  }
0x86: {  	s19 =	sadd.s32 s3, s12;
	s6 =	sand.u32 $0x1FFFFFF0, s6;
	s22 =	sshll.u32 s17, $0x4  }
0x87: {  	[tilespmem:s26], [sflag:$0x2] =	stream.linear.gather [hbm4b:s19+s2], $0x80, $0x38;
	[tilespmem:$0x8800] =	vst v63  }
0x88: {  	s10 =	sadd.s32 s3, s6;
	s24 =	spop (v2sf);
	s5 =	sand.u32 $0x1FFFFFF0, s22  }
0x89: {  	[tilespmem:s25], [sflag:$0x2] =	stream.linear.gather [hbm4b:s1+s2], $0x80, $0x38;
	[tilespmem:$0x8800] =	vst v63  }
0x8a: {  	s8 =	sshll.u32 s24, $0x4;
	s13 =	sadd.s32 s3, s5;
	s12 =	spop (v2sf)  }
0x8b: {  	[tilespmem:s23], [sflag:$0x2] =	stream.linear.gather [hbm4b:s10+s2], $0x80, $0x38;
	[tilespmem:$0x8800] =	vst v63  }
0x8c: {  	s4 =	sand.u32 $0x1FFFFFF0, s8;
	s17 =	sshll.u32 s12, $0x4;
	s19 =	spop (v2sf)  }
0x8d: {  	[tilespmem:s21], [sflag:$0x2] =	stream.linear.gather [hbm4b:s13+s2], $0x80, $0x38;
	[tilespmem:$0x8800] =	vst v63  }
0x8e: {  	s1 =	sand.u32 $0x1FFFFFF0, s17;
	s21 =	sadd.s32 s3, s4;
	s22 =	sshll.u32 s19, $0x4  }
0x8f: {  	[tilespmem:s20], [sflag:$0x2] =	stream.linear.gather [hbm4b:s21+s2], $0x80, $0x38;
	[tilespmem:$0x8800] =	vst v63  }
0x90: {  	s23 =	sadd.s32 $0xF00, s18;
	s1 =	sadd.s32 s3, s1;
	s4 =	sand.u32 $0x1FFFFFF0, s22  }
0x91: {  	[tilespmem:s23], [sflag:$0x2] =	stream.linear.gather [hbm4b:s1+s2], $0x80, $0x38;
	[tilespmem:$0x8800] =	vst v63  }
0x92: {  	s24 =	sadd.s32 $0xF80, s18;
	s25 =	sadd.s32 s3, s4  }
0x93: {  	[tilespmem:s24], [sflag:$0x2] =	stream.linear.gather [hbm4b:s25+s2], $0x80, $0x38;
	[tilespmem:$0x8800] =	vst v63  }
0x94: {  	v0 =	vld [tilespmem:s14+$0x0];
	_ =	sdelay $0x4  }
0x95: {  	v1 =	vnsel vm0, $0x0, v0  }
0x96: {  	v2 =	vsel vm2, $0x0, v0;
	(xrf0) =	vadd.scan.msk.s32 $0xffff, v1  }
0x97: {  	v40 =	vsel vm3, $0x0, v0;
	(xrf0) =	vadd.scan.msk.s32 $0xffff, v2  }
0x98: {  	v41 =	vsel vm1, $0x0, v0;
	(xrf0) =	vadd.scan.msk.s32 $0xffff, v40  }
0x99: {  	(xrf0) =	vadd.scan.msk.s32 $0xffff, v41;
	_ =	sdelay $0x2  }
0x9a: {  	v42, _, _ =	vpop (xrf0)  }
0x9b: {  	v43 =	vsel vm8, $0x0, v0;
	(v2sf) =	vpush v42, $0xF;
	v44, _, _ =	vpop (xrf0)  }
0x9c: {  	v3 =	vsel vm9, $0x0, v0;
	(xrf0) =	vadd.scan.msk.s32 $0xffff, v43;
	(v2sf) =	vpush v44, $0xF;
	v45, _, _ =	vpop (xrf0)  }
0x9d: {  	v46 =	vsel vm5, $0x0, v0;
	(xrf0) =	vadd.scan.msk.s32 $0xffff, v3;
	v47, _, _ =	vpop (xrf0);
	(v2sf) =	vpush v45, $0xF  }
0x9e: {  	v48 =	vsel vm4, $0x0, v0;
	(xrf0) =	vadd.scan.msk.s32 $0xffff, v46;
	(v2sf) =	vpush v47, $0xF  }
0x9f: {  	(xrf0) =	vadd.scan.msk.s32 $0xffff, v48;
	_ =	sdelay $0x1  }
0xa0: {  	v49 =	vsel vm10, $0x0, v0  }
0xa1: {  	v50 =	vsel vm11, $0x0, v0;
	(xrf0) =	vadd.scan.msk.s32 $0xffff, v49;
	v51, _, _ =	vpop (xrf0)  }
0xa2: {  	v52 =	vsel vm12, $0x0, v0;
	(xrf0) =	vadd.scan.msk.s32 $0xffff, v50;
	v53, _, _ =	vpop (xrf0)  }
0xa3: {  	v4 =	vsel vm13, $0x0, v0;
	(xrf0) =	vadd.scan.msk.s32 $0xffff, v52;
	(v2sf) =	vpush v51, $0xF;
	v54, _, _ =	vpop (xrf0)  }
0xa4: {  	v55 =	vsel vm14, $0x0, v0;
	(xrf0) =	vadd.scan.msk.s32 $0xffff, v4;
	v56, _, _ =	vpop (xrf0)  }
0xa5: {  	v5 =	vsel vm6, $0x0, v0;
	(xrf0) =	vadd.scan.msk.s32 $0xffff, v55;
	(v2sf) =	vpush v56, $0xF  }
0xa6: {  	s31 =	simm.s32 $0x4C00;
	v57 =	vsel vm7, $0x0, v0;
	(xrf0) =	vadd.scan.msk.s32 $0xffff, v5  }
0xa7: {  	s0 =	simm.s32 $0x4900;
	s6 =	simm.s32 $0x4880;
	s28 =	simm.s32 $0x4C80;
	(xrf0) =	vadd.scan.msk.s32 $0xffff, v57;
	v58, _, _ =	vpop (xrf0);
	(v2sf) =	vpush v54, $0xF  }
0xa8: {  	s26 =	simm.s32 $0x4800;
	s8 =	simm.s32 $0x4A80;
	s18 =	simm.s32 $0x2000;
	v59, _, _ =	vpop (xrf0)  }
0xa9: {  	s17 =	sshllo.u32 s16, $0x1;
	s19 =	simm.s32 $0x0;
	(v2sf) =	vpush v58, $0xF;
	v60, _, _ =	vpop (xrf0);
	s5 =	spop (v2sf)  }
0xaa: {  	s22 =	simm.s32 $0x4E00;
	v61, _, _ =	vpop (xrf0);
	s7 =	sshll.u32 s5, $0x4;
	s10 =	spop (v2sf)  }
0xab: {  	s21 =	simm.s32 $0x4E80;
	(v2sf) =	vpush v53, $0xF;
	v62, _, _ =	vpop (xrf0);
	s7 =	sand.u32 $0x1FFFFFF0, s7;
	s12 =	spop (v2sf)  }
0xac: {  	s20 =	sadd.s32 $0x10, s14;
	v63, _, _ =	vpop (xrf0);
	s7 =	sadd.s32 s3, s7;
	s13 =	spop (v2sf)  }
0xad: {  	v6, _, _ =	vpop (xrf0);
	(v2sf) =	vpush v63, $0xF;
	[tilespmem:s26], [sflag:$0x2] =	stream.linear.gather [hbm4b:s7+s2], $0x80, $0x38;
	[tilespmem:$0x8800] =	vst v63  }
0xae: {  	s1 =	simm.s32 $0x4A00;
	s23 =	simm.s32 $0x4B80;
	(v2sf) =	vpush v6, $0xF;
	s7 =	sshll.u32 s13, $0x4  }
0xaf: {  	s24 =	simm.s32 $0x4B00;
	s10 =	sshll.u32 s10, $0x4;
	s4 =	sand.u32 $0x1FFFFFF0, s7  }
0xb0: {  	s12 =	sshll.u32 s12, $0x4;
	(v2sf) =	vpush v59, $0xF;
	s7 =	sand.u32 $0x1FFFFFF0, s10;
	s4 =	sadd.s32 s3, s4  }
0xb1: {  	[tilespmem:s6], [sflag:$0x2] =	stream.linear.gather [hbm4b:s4+s2], $0x80, $0x38;
	[tilespmem:$0x8800] =	vst v63  }
0xb2: {  	s13 =	sand.u32 $0x1FFFFFF0, s12;
	s7 =	sadd.s32 s3, s7;
	s4 =	spop (v2sf)  }
0xb3: {  	v0 =	vsel vm15, $0x0, v0;
	[tilespmem:s0], [sflag:$0x2] =	stream.linear.gather [hbm4b:s7+s2], $0x80, $0x38;
	[tilespmem:$0x8800] =	vst v63  }
0xb4: {  	(xrf0) =	vadd.scan.msk.s32 $0xffff, v0;
	s10 =	simm.s32 $0x4980;
	(v2sf) =	vpush v60, $0xF;
	s6 =	sadd.s32 s3, s13;
	s5 =	spop (v2sf)  }
0xb5: {  	[tilespmem:s10], [sflag:$0x2] =	stream.linear.gather [hbm4b:s6+s2], $0x80, $0x38;
	[tilespmem:$0x8800] =	vst v63  }
0xb6: {  	s25 =	simm.s32 $0x4D80;
	(v2sf) =	vpush v61, $0xF;
	s0 =	sshll.u32 s5, $0x4;
	s12 =	spop (v2sf)  }
0xb7: {  	s26 =	simm.s32 $0x4D00;
	s0 =	sand.u32 $0x1FFFFFF0, s0;
	s6 =	sshll.u32 s12, $0x4  }
0xb8: {  	s13 =	spop (v2sf);
	s6 =	sand.u32 $0x1FFFFFF0, s6;
	s0 =	sadd.s32 s3, s0  }
0xb9: {  	[tilespmem:s1], [sflag:$0x2] =	stream.linear.gather [hbm4b:s0+s2], $0x80, $0x38;
	[tilespmem:$0x8800] =	vst v63  }
0xba: {  	s4 =	sshll.u32 s4, $0x4;
	s5 =	spop (v2sf);
	(v2sf) =	vpush v62, $0xF;
	s6 =	sadd.s32 s3, s6  }
0xbb: {  	v0, _, _ =	vpop (xrf0);
	[tilespmem:s8], [sflag:$0x2] =	stream.linear.gather [hbm4b:s6+s2], $0x80, $0x38;
	[tilespmem:$0x8800] =	vst v63  }
0xbc: {  	s1 =	sand.u32 $0x1FFFFFF0, s4;
	s30 =	sshll.u32 s5, $0x4;
	s10 =	spop (v2sf);
	(v2sf) =	vpush v0, $0xF  }
0xbd: {  	s8 =	sshll.u32 s13, $0x4;
	s12 =	sshll.u32 s10, $0x4;
	s13 =	spop (v2sf)  }
0xbe: {  	s7 =	sand.u32 $0x1FFFFFF0, s8;
	s29 =	sand.u32 $0x1FFFFFF0, s12;
	s4 =	sshll.u32 s13, $0x4  }
.LBB2_5:
0xbf: {  	s0 =	sadd.s32 s3, s29;
	s4 =	sand.u32 $0x1FFFFFF0, s4;
	s6 =	spop (v2sf)  }
0xc0: {  	[tilespmem:s24], [sflag:$0x2] =	stream.linear.gather [hbm4b:s0+s2], $0x80, $0x38;
	[tilespmem:$0x8800] =	vst v63  }
0xc1: {  	s0 =	sadd.s32 s3, s4;
	s4 =	sand.u32 $0x1FFFFFF0, s30;
	s6 =	sshll.u32 s6, $0x4  }
0xc2: {  	[tilespmem:s23], [sflag:$0x2] =	stream.linear.gather [hbm4b:s0+s2], $0x80, $0x38;
	[tilespmem:$0x8800] =	vst v63  }
0xc3: {  	s0 =	sadd.s32 s3, s1;
	s1 =	sand.u32 $0x1FFFFFF0, s6;
	s6 =	spop (v2sf)  }
0xc4: {  	[tilespmem:s31], [sflag:$0x2] =	stream.linear.gather [hbm4b:s0+s2], $0x80, $0x38;
	[tilespmem:$0x8800] =	vst v63  }
0xc5: {  	s0 =	sadd.s32 s3, s4;
	s4 =	sshll.u32 s6, $0x4;
	s6 =	spop (v2sf)  }
0xc6: {  	[tilespmem:s28], [sflag:$0x2] =	stream.linear.gather [hbm4b:s0+s2], $0x80, $0x38;
	[tilespmem:$0x8800] =	vst v63  }
0xc7: {  	s4 =	sand.u32 $0x1FFFFFF0, s4;
	s0 =	sadd.s32 s3, s7;
	s6 =	sshll.u32 s6, $0x4  }
0xc8: {  	[tilespmem:s26], [sflag:$0x2] =	stream.linear.gather [hbm4b:s0+s2], $0x80, $0x38;
	[tilespmem:$0x8800] =	vst v63  }
0xc9: {  	s0 =	sadd.s32 s3, s1;
	s1 =	sand.u32 $0x1FFFFFF0, s6;
	s6 =	spop (v2sf)  }
0xca: {  	[tilespmem:s25], [sflag:$0x2] =	stream.linear.gather [hbm4b:s0+s2], $0x80, $0x38;
	[tilespmem:$0x8800] =	vst v63  }
0xcb: {  	s0 =	sadd.s32 s3, s4;
	s4 =	sshll.u32 s6, $0x4;
	s6 =	spop (v2sf)  }
0xcc: {  	[tilespmem:s22], [sflag:$0x2] =	stream.linear.gather [hbm4b:s0+s2], $0x80, $0x38;
	[tilespmem:$0x8800] =	vst v63  }
0xcd: {  	s0 =	sadd.s32 s3, s1;
	s1 =	sand.u32 $0x1FFFFFF0, s4;
	s4 =	sshll.u32 s6, $0x4  }
0xce: {  	[tilespmem:s21], [sflag:$0x2] =	stream.linear.gather [hbm4b:s0+s2], $0x80, $0x38;
	[tilespmem:$0x8800] =	vst v63  }
0xcf: {  	s1 =	sadd.s32 s3, s1;
	s4 =	sand.u32 $0x1FFFFFF0, s4;
	s0 =	sadd.s32 $0x4F00, s19  }
0xd0: {  	[tilespmem:s0], [sflag:$0x2] =	stream.linear.gather [hbm4b:s1+s2], $0x80, $0x38;
	[tilespmem:$0x8800] =	vst v63  }
0xd1: {  	p0 =	sne.s32 s18, $0xE000;
	s0 =	sadd.s32 $0x4F80, s19;
	s1 =	sadd.s32 s3, s4  }
0xd2: {  	[tilespmem:s0], [sflag:$0x2] =	stream.linear.gather [hbm4b:s1+s2], $0x80, $0x38;
	[tilespmem:$0x8800] =	vst v63  }
0xd3: {  	s0 =	smov.u32 s18;
	s18 =	sadd.s32 $0x2000, s18;
	v0 =	vld [tilespmem:s20+$0x0];
	_ =	sdelay $0x4  }
0xd4: {  	v1 =	vnsel vm0, $0x0, v0;
	v2 =	vsel vm3, $0x0, v0;
	v3 =	vsel vm14, $0x0, v0  }
0xd5: {  	v4 =	vsel vm2, $0x0, v0;
	v5 =	vsel vm15, $0x0, v0;
	(xrf0) =	vadd.scan.msk.s32 $0xffff, v1  }
0xd6: {  	v6 =	vsel vm6, $0x0, v0;
	v1 =	vsel vm1, $0x0, v0;
	(xrf0) =	vadd.scan.msk.s32 $0xffff, v4  }
0xd7: {  	v4 =	vsel vm7, $0x0, v0;
	(xrf0) =	vadd.scan.msk.s32 $0xffff, v2  }
0xd8: {  	v2 =	vsel vm8, $0x0, v0;
	(xrf0) =	vadd.scan.msk.s32 $0xffff, v1  }
0xd9: {  	v1 =	vsel vm9, $0x0, v0;
	(xrf0) =	vadd.scan.msk.s32 $0xffff, v2  }
0xda: {  	v2 =	vsel vm5, $0x0, v0;
	(xrf0) =	vadd.scan.msk.s32 $0xffff, v1  }
0xdb: {  	v1 =	vsel vm4, $0x0, v0;
	v7, _, _ =	vpop (xrf0);
	(xrf0) =	vadd.scan.msk.s32 $0xffff, v2  }
0xdc: {  	v2 =	vsel vm10, $0x0, v0;
	(v2sf) =	vpush v7, $0xF;
	v7, _, _ =	vpop (xrf0);
	(xrf0) =	vadd.scan.msk.s32 $0xffff, v1  }
0xdd: {  	v9 =	vsel vm11, $0x0, v0;
	(v2sf) =	vpush v7, $0xF;
	v7, _, _ =	vpop (xrf0);
	(xrf0) =	vadd.scan.msk.s32 $0xffff, v2  }
0xde: {  	s19 =	sshra.s32 s0, $0x2;
	v2 =	vsel vm12, $0x0, v0;
	v8, _, _ =	vpop (xrf0);
	(v2sf) =	vpush v7, $0xF;
	(xrf0) =	vadd.scan.msk.s32 $0xffff, v9  }
0xdf: {  	s30 =	sadd.s32 $0x4900, s19;
	v7 =	vsel vm13, $0x0, v0;
	(v2sf) =	vpush v8, $0xF;
	v1, _, _ =	vpop (xrf0);
	(xrf0) =	vadd.scan.msk.s32 $0xffff, v2  }
0xe0: {  	s29 =	sadd.s32 $0x4A00, s19;
	s23 =	sadd.s32 $0x4B80, s19;
	(v2sf) =	vpush v1, $0xF;
	v1, _, _ =	vpop (xrf0);
	(xrf0) =	vadd.scan.msk.s32 $0xffff, v7  }
0xe1: {  	s1 =	sadd.s32 $0x4800, s19;
	s7 =	sadd.s32 $0x4880, s19;
	v0, _, _ =	vpop (xrf0);
	(xrf0) =	vadd.scan.msk.s32 $0xffff, v3  }
0xe2: {  	s24 =	sadd.s32 $0x4B00, s19;
	v2, _, _ =	vpop (xrf0);
	(xrf0) =	vadd.scan.msk.s32 $0xffff, v6  }
0xe3: {  	s0 =	sadd.s32 $0x4A80, s19;
	(v2sf) =	vpush v2, $0xF;
	(xrf0) =	vadd.scan.msk.s32 $0xffff, v4;
	v2, _, _ =	vpop (xrf0)  }
0xe4: {  	(v2sf) =	vpush v0, $0xF;
	v0, _, _ =	vpop (xrf0);
	(xrf0) =	vadd.scan.msk.s32 $0xffff, v5  }
0xe5: {  	(v2sf) =	vpush v2, $0xF;
	v2, _, _ =	vpop (xrf0)  }
0xe6: {  	v3, _, _ =	vpop (xrf0)  }
0xe7: {  	v4, _, _ =	vpop (xrf0)  }
0xe8: {  	v5, _, _ =	vpop (xrf0);
	(v2sf) =	vpush v1, $0xF  }
0xe9: {  	v1, _, _ =	vpop (xrf0)  }
0xea: {  	s20 =	sadd.s32 $0x10, s20;
	s22 =	sadd.s32 $0x4E00, s19;
	s21 =	sadd.s32 $0x4E80, s19;
	(v2sf) =	vpush v5, $0xF;
	v5, _, _ =	vpop (xrf0)  }
0xeb: {  	s26 =	sadd.s32 $0x4D00, s19;
	s25 =	sadd.s32 $0x4D80, s19;
	s4 =	spop (v2sf)  }
0xec: {  	s28 =	sadd.s32 $0x4C80, s19;
	s4 =	sshll.u32 s4, $0x4;
	s6 =	spop (v2sf);
	(v2sf) =	vpush v1, $0xF  }
0xed: {  	s4 =	sand.u32 $0x1FFFFFF0, s4;
	s6 =	sshll.u32 s6, $0x4;
	s8 =	spop (v2sf)  }
0xee: {  	s4 =	sadd.s32 s3, s4;
	s6 =	sand.u32 $0x1FFFFFF0, s6;
	s10 =	spop (v2sf)  }
0xef: {  	s8 =	sshll.u32 s8, $0x4;
	s10 =	sshll.u32 s10, $0x4;
	s12 =	spop (v2sf)  }
0xf0: {  	s8 =	sand.u32 $0x1FFFFFF0, s8;
	s10 =	sand.u32 $0x1FFFFFF0, s10;
	s12 =	sshll.u32 s12, $0x4;
	(v2sf) =	vpush v0, $0xF  }
0xf1: {  	[tilespmem:s1], [sflag:$0x2] =	stream.linear.gather [hbm4b:s4+s2], $0x80, $0x38;
	[tilespmem:$0x8800] =	vst v63  }
0xf2: {  	s31 =	sadd.s32 $0x4C00, s19;
	s1 =	sand.u32 $0x1FFFFFF0, s12;
	s4 =	spop (v2sf)  }
0xf3: {  	s12 =	sadd.s32 $0x4980, s19;
	s4 =	sshll.u32 s4, $0x4;
	s13 =	spop (v2sf)  }
0xf4: {  	s4 =	sand.u32 $0x1FFFFFF0, s4;
	s13 =	sshll.u32 s13, $0x4;
	s5 =	spop (v2sf);
	(v2sf) =	vpush v2, $0xF  }
0xf5: {  	s10 =	sadd.s32 s3, s10;
	s13 =	sand.u32 $0x1FFFFFF0, s13;
	s5 =	sshll.u32 s5, $0x4  }
0xf6: {  	[tilespmem:s7], [sflag:$0x2] =	stream.linear.gather [hbm4b:s10+s2], $0x80, $0x38;
	(v2sf) =	vpush v3, $0xF;
	[tilespmem:$0x8800] =	vst v63  }
0xf7: {  	s6 =	sadd.s32 s3, s6;
	s7 =	sand.u32 $0x1FFFFFF0, s5;
	s5 =	spop (v2sf)  }
0xf8: {  	[tilespmem:s30], [sflag:$0x2] =	stream.linear.gather [hbm4b:s6+s2], $0x80, $0x38;
	[tilespmem:$0x8800] =	vst v63  }
0xf9: {  	s6 =	sadd.s32 s3, s8;
	s30 =	sshll.u32 s5, $0x4;
	s5 =	spop (v2sf)  }
0xfa: {  	[tilespmem:s12], [sflag:$0x2] =	stream.linear.gather [hbm4b:s6+s2], $0x80, $0x38;
	[tilespmem:$0x8800] =	vst v63  }
.Ltmp1:
0xfb: {  	(v2sf) =	vpush v4, $0xF;
	(pc) =	sbr.rel @p0 .LBB2_5-.Ltmp1, $4  }
0xfc: {  	s4 =	sadd.s32 s3, s4;
	s5 =	sshll.u32 s5, $0x4;
	s6 =	spop (v2sf)  }
0xfd: {  	[tilespmem:s29], [sflag:$0x2] =	stream.linear.gather [hbm4b:s4+s2], $0x80, $0x38;
	(v2sf) =	vpush v5, $0xF;
	[tilespmem:$0x8800] =	vst v63  }
0xfe: {  	s8 =	sadd.s32 s3, s13;
	s29 =	sand.u32 $0x1FFFFFF0, s5;
	s4 =	sshll.u32 s6, $0x4  }
0xff: {  	[tilespmem:s0], [sflag:$0x2] =	stream.linear.gather [hbm4b:s8+s2], $0x80, $0x38;
	[tilespmem:$0x8800] =	vst v63  }
0x100: {  	s0 =	sadd.s32 s3, s29;
	s4 =	sand.u32 $0x1FFFFFF0, s4;
	s5 =	spop (v2sf)  }
0x101: {  	[tilespmem:s24], [sflag:$0x2] =	stream.linear.gather [hbm4b:s0+s2], $0x80, $0x38;
	[tilespmem:$0x8800] =	vst v63  }
0x102: {  	s13 =	sand.u32 $0x1FFFFFF0, s30;
	s12 =	sadd.s32 s3, s4;
	s5 =	sshll.u32 s5, $0x4  }
0x103: {  	[tilespmem:s23], [sflag:$0x2] =	stream.linear.gather [hbm4b:s12+s2], $0x80, $0x38;
	[tilespmem:$0x8800] =	vst v63  }
0x104: {  	s18 =	sadd.s32 s3, s1;
	s20 =	sand.u32 $0x1FFFFFF0, s5;
	s23 =	spop (v2sf)  }
0x105: {  	[tilespmem:s31], [sflag:$0x2] =	stream.linear.gather [hbm4b:s18+s2], $0x80, $0x38;
	[tilespmem:$0x8800] =	vst v63  }
0x106: {  	s24 =	sadd.s32 s3, s13;
	s6 =	sadd.s32 s3, s20;
	s29 =	sshll.u32 s23, $0x4  }
0x107: {  	[tilespmem:s28], [sflag:$0x2] =	stream.linear.gather [hbm4b:s24+s2], $0x80, $0x38;
	[tilespmem:$0x8800] =	vst v63  }
0x108: {  	s30 =	spop (v2sf);
	s31 =	sadd.s32 s3, s7;
	s4 =	sand.u32 $0x1FFFFFF0, s29  }
0x109: {  	[tilespmem:s26], [sflag:$0x2] =	stream.linear.gather [hbm4b:s31+s2], $0x80, $0x38;
	[tilespmem:$0x8800] =	vst v63  }
0x10a: {  	s5 =	sshll.u32 s30, $0x4;
	s10 =	sadd.s32 s3, s4;
	s8 =	spop (v2sf)  }
0x10b: {  	[tilespmem:s25], [sflag:$0x2] =	stream.linear.gather [hbm4b:s6+s2], $0x80, $0x38;
	[tilespmem:$0x8800] =	vst v63  }
0x10c: {  	s7 =	sand.u32 $0x1FFFFFF0, s5;
	s12 =	sshll.u32 s8, $0x4;
	s13 =	spop (v2sf)  }
0x10d: {  	[tilespmem:s22], [sflag:$0x2] =	stream.linear.gather [hbm4b:s10+s2], $0x80, $0x38;
	[tilespmem:$0x8800] =	vst v63  }
0x10e: {  	s18 =	sadd.s32 s3, s7;
	s20 =	sand.u32 $0x1FFFFFF0, s12;
	s22 =	sshll.u32 s13, $0x4  }
0x10f: {  	[tilespmem:s21], [sflag:$0x2] =	stream.linear.gather [hbm4b:s18+s2], $0x80, $0x38;
	[tilespmem:$0x8800] =	vst v63  }
0x110: {  	s23 =	sadd.s32 $0x4F00, s19;
	s1 =	sadd.s32 s3, s20;
	s4 =	sand.u32 $0x1FFFFFF0, s22  }
0x111: {  	[tilespmem:s23], [sflag:$0x2] =	stream.linear.gather [hbm4b:s1+s2], $0x80, $0x38;
	[tilespmem:$0x8800] =	vst v63  }
0x112: {  	s24 =	sadd.s32 $0x4F80, s19;
	s25 =	sadd.s32 s3, s4  }
0x113: {  	[tilespmem:s24], [sflag:$0x2] =	stream.linear.gather [hbm4b:s25+s2], $0x80, $0x38;
	[tilespmem:$0x8800] =	vst v63  }
0x114: {  	_ =	swait.ge [sflag:s9], $0x4000  }
0x115: {  	s26 =	sshll.u32 s16, $0xC;
	[sflag:s9] =	ssyncset.done $0x0;
	s28 =	rddreg [dreg:$0x4]  }
0x116: {  	s29 =	simm.s32 $0x800;
	[sflag:s9] =	ssyncadd.s32 $0xFFFFC000;
	s0 =	sadd.s32 s26, s28  }
0x117: {  	[hbm4b:s0+s2] =	stream.linear.scatter [tilespmem:s29], [sflag:$0x3], $0x4000, $0x38;
	[tilespmem:$0x8800] =	vst v63  }
0x118: {  	_ =	swait.ge [sflag:s11], $0x4000  }
0x119: {  	[sflag:s11] =	ssyncset.done $0x0  }
0x11a: {  	[sflag:s11] =	ssyncadd.s32 $0xFFFFC000  }
0x11b: {  	s30 =	sshll.u32 s17, $0xB;
	s16 =	sadd.s32 $0x1, s16;
	_ =	swait.ge [sflag:s9], $0x4000  }
0x11c: {  	s31 =	simm.s32 $0x4800;
	p0 =	sne.s32 s16, $0x8;
	[sflag:s9] =	ssyncset.done $0x0  }
.Ltmp2:
0x11d: {  	s0 =	sadd.s32 s30, s28;
	[sflag:s9] =	ssyncadd.s32 $0xFFFFC000;
	(pc) =	sbr.rel @p0 .LBB2_2-.Ltmp2, $4  }
0x11e: {  	[hbm4b:s0+s2] =	stream.linear.scatter [tilespmem:s31], [sflag:$0x3], $0x4000, $0x38;
	[tilespmem:$0x8800] =	vst v63  }
0x11f: {  	_ =	swait.ge [sflag:s11], $0x4000  }
0x120: {  	[sflag:s11] =	ssyncset.done $0x0  }
0x121: {  	s15 =	sadd.s32 $0x100, s15;
	s14 =	sadd.s32 $0x100, s14;
	[sflag:s11] =	ssyncadd.s32 $0xFFFFC000  }
0x122: {  	s1 =	rddreg [dreg:$0x6]  }
0x123: {  	s0 =	rddreg [dreg:$0x5];
	s1 =	sadd.s32 $0x1, s1  }
0x124: {  	p0 =	sne.s32 s1, s0  }
.Ltmp3:
0x125: {  	_ = 	snop;
	(pc) =	sbr.rel @p0 .LBB2_1-.Ltmp3, $1  }
0x126: {  	_ =	sdelay $0x3  }
0x127: {  	_ =	sfence.sel $0x180000  }
0x128: {  	[bflag:$0x0] =	sbarrier.arrive $0xFFFF  }
0x129: {  	_ =	strace $0x90000047  }
0x12a: {  	s0 =	stileid.u32;
	[bflag:$0x2] =	sbarrier.arrive $0xFFFF  }
0x12b: {  	p0 =	sne.s32 s0, $0x0;
	s0 =	rddreg [dreg:$0x2]  }
0x12c: {  	s0 =	sadd.s32 @!p0 $0x100000, s0  }
0x12d: {  	[sflag:s0] =	ssyncadd.tile.s32 @!p0 $0x1;
	_ =	shalt  }
.Lfunc_end2:
_tile_overlayer_lowered:
.L_overlay_start_2:
0x12e: {  	(tag) =	ssettag $0x2  }
0x12f: {  	s0 =	rddreg [dreg:$0x0];
	s2 =	stileid.u32  }
0x130: {  	s1 =	rddreg [dreg:$0x1];
	p0 =	sne.s32 s2, $0x0  }
0x131: {  	s3 =	rddreg [dreg:$0x2];
	[bflag:$0x3] =	sbarrier.arrive $0xFFFF;
	s2 =	simm.s32 @!p0 $0x1C03  }
0x132: {  	[timem:s3], [sflag:s2] =	dma.local @!p0 [hbm:s0], s1  }
0x133: {  	s0 =	simm.s32 @!p0 $0x3  }
0x134: {  	_ =	swait.ge @!p0 [sflag:s0], s1  }
0x135: {  	s1 =	ssub.s32 @!p0 $0x0, s1;
	[sflag:s0] =	ssyncset.done @!p0 $0x0  }
0x136: {  	[sflag:s0] =	ssyncadd.s32 @!p0 s1  }
0x137: {  	[bflag:$0x3] =	sbarrier.arrive $0xFFFF  }
0x138: {  	_ =	shalt  }

</sc_bundles>
